<compile_context>
chip_gen: v7x
topology: tpu7x:2x2x1
jax: 0.10.2.dev20260603
libtpu: 0.0.44.dev20260713+nightly
codegen_flags: <defaults>
</compile_context>

<pallas_src>
import functools

import jax
import jax.numpy as jnp
from jax import lax
from jax.experimental import pallas as pl
from jax.experimental.pallas import tpu as pltpu
from jax.experimental.pallas import tpu_sc as plsc

_VOCAB = 100000
_D = 128
_B = 4096
_H = 50
_N = _B * _H
_RING = 5
_LOOK = 2


@functools.lru_cache(maxsize=None)
def _build(nc, ns):
    nw = nc * ns
    bat_w = _B // nw
    per_w = _H * bat_w
    nchunk = _H
    assert nchunk % _RING == 0
    mesh = plsc.VectorSubcoreMesh(core_axis_name="c", subcore_axis_name="s")

    @functools.partial(
        pl.kernel,
        mesh=mesh,
        out_type=jax.ShapeDtypeStruct((_H, _B, _D), jnp.float32),
        scratch_types=(
            [pltpu.VMEM((per_w,), jnp.int32)]
            + [pltpu.VMEM((bat_w, _D), jnp.float32) for _ in range(_RING)]
            + [pltpu.SemaphoreType.DMA for _ in range(2 * _RING)]
        ),
    )
    def k(x_hbm, table_hbm, out_hbm, idx_v, *scratch):
        bufs = scratch[:_RING]
        semg = scratch[_RING:2 * _RING]
        sems = scratch[2 * _RING:]
        wid = lax.axis_index("s") * nc + lax.axis_index("c")
        pltpu.sync_copy(x_hbm.at[wid], idx_v)
        b_base = wid * bat_w
        off = (wid * nchunk) // nw

        def gather(c, slot):
            ce = (c + off) % nchunk
            return pltpu.make_async_copy(
                table_hbm.at[idx_v.at[pl.ds(ce * bat_w, bat_w)]],
                bufs[slot], semg[slot])

        def scatter(c, slot):
            ce = (c + off) % nchunk
            return pltpu.make_async_copy(
                bufs[slot],
                out_hbm.at[ce, pl.ds(b_base, bat_w)],
                sems[slot])

        for c in range(_LOOK):
            gather(c, c).start()

        def outer(o, carry):
            for b in range(_RING):
                c = o * _RING + b
                gb = (b + _LOOK) % _RING
                @pl.when(c >= _RING - _LOOK)
                def _():
                    scatter(c - (_RING - _LOOK), gb).wait()

                @pl.when(c + _LOOK < nchunk)
                def _():
                    gather(c + _LOOK, gb).start()

                gather(c, b).wait()
                scatter(c, b).start()
            return carry

        lax.fori_loop(0, nchunk // _RING, outer, 0)
        for c in range(nchunk - (_RING - _LOOK), nchunk):
            scatter(c, c % _RING).wait()

    return k


def kernel(x, table):
    info = plsc.get_sparse_core_info()
    nc, ns = info.num_cores, info.num_subcores
    nw = nc * ns
    bat_w = _B // nw
    xi = (x.astype(jnp.int32).T.reshape(_H, nw, bat_w)
          .transpose(1, 0, 2).reshape(nw, _H * bat_w))
    out = _build(nc, ns)(xi, table)
    return out.transpose(1, 0, 2)

# --- scband reference (transcript-rebuilt; emitter-appended) ---
"""Pipeline reference for scband-word-embedding-22548578304864 (READ-ONLY COPY).

The authoritative reference and input builder live on the scoring server;
editing this copy changes nothing except your own understanding.
"""

import jax, jax.numpy as jnp
import numpy as np

VOCAB = 100000
EMBED_DIM = 128
BATCH = 4096
HIST = 50


def setup_inputs(seed: int = 0) -> dict:
    key = jax.random.key(seed)
    k1, k2 = jax.random.split(key)
    # Pretrained embedding table (stand-in for the file-loaded weights).
    table = jax.random.normal(k1, (VOCAB, EMBED_DIM), dtype=jnp.float32)
    x = jax.random.randint(k2, (BATCH, HIST), 0, VOCAB, dtype=jnp.int64)
    return {"x": x, "table": table}


def reference(x, table):
    # nn.Embedding forward: gather rows of the weight table by index.
    return jnp.take(table, x, axis=0)

if __name__ == "__main__":
    import jax
    _d = setup_inputs()
    print(jax.jit(kernel)(*tuple(_d.values())))

</pallas_src>

<mosaic_0001>
#map = affine_map<(d0, d1) -> (0, 0)>
#map1 = affine_map<(d0, d1) -> (0, 0, 0)>
module attributes {stable_mosaic.version = 14 : i64} {
  func.func @k(%arg0: i32, %arg1: i32, %arg2: memref<32x6400xi32, #tpu.memory_space<hbm>>, %arg3: memref<100000x128xf32, #tpu.memory_space<hbm>>, %arg4: memref<50x4096x128xf32, #tpu.memory_space<hbm>>, %arg5: memref<6400xi32, #tpu.memory_space<vmem>>, %arg6: memref<128x128xf32, #tpu.memory_space<vmem>>, %arg7: memref<128x128xf32, #tpu.memory_space<vmem>>, %arg8: memref<128x128xf32, #tpu.memory_space<vmem>>, %arg9: memref<128x128xf32, #tpu.memory_space<vmem>>, %arg10: memref<128x128xf32, #tpu.memory_space<vmem>>, %arg11: memref<!tpu.dma_semaphore, #tpu.memory_space<semaphore_mem>>, %arg12: memref<!tpu.dma_semaphore, #tpu.memory_space<semaphore_mem>>, %arg13: memref<!tpu.dma_semaphore, #tpu.memory_space<semaphore_mem>>, %arg14: memref<!tpu.dma_semaphore, #tpu.memory_space<semaphore_mem>>, %arg15: memref<!tpu.dma_semaphore, #tpu.memory_space<semaphore_mem>>, %arg16: memref<!tpu.dma_semaphore, #tpu.memory_space<semaphore_mem>>, %arg17: memref<!tpu.dma_semaphore, #tpu.memory_space<semaphore_mem>>, %arg18: memref<!tpu.dma_semaphore, #tpu.memory_space<semaphore_mem>>, %arg19: memref<!tpu.dma_semaphore, #tpu.memory_space<semaphore_mem>>, %arg20: memref<!tpu.dma_semaphore, #tpu.memory_space<semaphore_mem>>) attributes {dimension_semantics = [#tpu.dimension_semantics<core_parallel>, #tpu.dimension_semantics<subcore_parallel>], iteration_bounds = array<i64: 2, 16>, scalar_prefetch = 0 : i64, scratch_operands = 16 : i64, tpu.core_type = #tpu.core_type<sc_vector_subcore>, window_params = [{transform_indices = #map}, {transform_indices = #map}, {transform_indices = #map1}]} {
    %mul3A = arith.constant 2 : i32
    %mul3A_0 = arith.muli %arg1, %mul3A : i32
    %add3A = arith.addi %mul3A_0, %arg0 : i32
    "tpu.region"() ({
      %run_scoped3A = tpu.sem_alloc : memref<!tpu.dma_semaphore, #tpu.memory_space<semaphore_mem>>
      %dma_start3A_142 = arith.constant 0 : i32
      %dma_start3A_143 = tpu.memref_slice %arg2[%add3A, %dma_start3A_142] : memref<32x6400xi32, #tpu.memory_space<hbm>> -> memref<1x6400xi32, #tpu.memory_space<hbm>>
      %dma_start3A_144 = tpu.memref_squeeze %dma_start3A_143 : memref<1x6400xi32, #tpu.memory_space<hbm>> -> memref<6400xi32, #tpu.memory_space<hbm>>
      %dma_start3A_145 = arith.constant 0 : i32
      %dma_start3A_146 = tpu.memref_slice %arg2[%add3A, %dma_start3A_145] : memref<32x6400xi32, #tpu.memory_space<hbm>> -> memref<1x6400xi32, #tpu.memory_space<hbm>>
      %dma_start3A_147 = tpu.memref_squeeze %dma_start3A_146 : memref<1x6400xi32, #tpu.memory_space<hbm>> -> memref<6400xi32, #tpu.memory_space<hbm>>
      tpu.enqueue_dma source(%dma_start3A_147 : memref<6400xi32, #tpu.memory_space<hbm>>) target(%arg5 : memref<6400xi32, #tpu.memory_space<vmem>>) target_semaphore(%run_scoped3A : memref<!tpu.dma_semaphore, #tpu.memory_space<semaphore_mem>>)
      %dma_wait3A_148 = arith.constant 0 : i32
      %dma_wait3A_149 = tpu.memref_slice %arg2[%add3A, %dma_wait3A_148] : memref<32x6400xi32, #tpu.memory_space<hbm>> -> memref<1x6400xi32, #tpu.memory_space<hbm>>
      %dma_wait3A_150 = tpu.memref_squeeze %dma_wait3A_149 : memref<1x6400xi32, #tpu.memory_space<hbm>> -> memref<6400xi32, #tpu.memory_space<hbm>>
      %dma_wait3A_151 = arith.constant 0 : i32
      %dma_wait3A_152 = tpu.memref_slice %arg2[%add3A, %dma_wait3A_151] : memref<32x6400xi32, #tpu.memory_space<hbm>> -> memref<1x6400xi32, #tpu.memory_space<hbm>>
      %dma_wait3A_153 = tpu.memref_squeeze %dma_wait3A_152 : memref<1x6400xi32, #tpu.memory_space<hbm>> -> memref<6400xi32, #tpu.memory_space<hbm>>
      tpu.wait_dma2 semaphore(%run_scoped3A : memref<!tpu.dma_semaphore, #tpu.memory_space<semaphore_mem>>) src(%dma_wait3A_153 : memref<6400xi32, #tpu.memory_space<hbm>>) dst(%arg5 : memref<6400xi32, #tpu.memory_space<vmem>>)
      tpu.yield
    }) : () -> ()
    %mul3A_1 = arith.constant 128 : i32
    %mul3A_2 = arith.muli %add3A, %mul3A_1 : i32
    %mul3A_3 = arith.constant 50 : i32
    %mul3A_4 = arith.muli %add3A, %mul3A_3 : i32
    %jit3A = arith.constant 32 : i32
    %div3A = arith.divsi %mul3A_4, %jit3A : i32
    %sign3A = arith.constant 0 : i32
    %sign3A_5 = arith.cmpi sgt, %mul3A_4, %sign3A : i32
    %sign3A_6 = arith.extui %sign3A_5 : i1 to i32
    %sign3A_7 = arith.constant 0 : i32
    %sign3A_8 = arith.cmpi slt, %mul3A_4, %sign3A_7 : i32
    %sign3A_9 = arith.extui %sign3A_8 : i1 to i32
    %sign3A_10 = arith.subi %sign3A_6, %sign3A_9 : i32
    %sign3A_11 = arith.constant 0 : i32
    %sign3A_12 = arith.cmpi sgt, %jit3A, %sign3A_11 : i32
    %sign3A_13 = arith.extui %sign3A_12 : i1 to i32
    %sign3A_14 = arith.constant 0 : i32
    %sign3A_15 = arith.cmpi slt, %jit3A, %sign3A_14 : i32
    %sign3A_16 = arith.extui %sign3A_15 : i1 to i32
    %sign3A_17 = arith.subi %sign3A_13, %sign3A_16 : i32
    %ne3A = arith.cmpi ne, %sign3A_10, %sign3A_17 : i32
    %rem3A = arith.remsi %mul3A_4, %jit3A : i32
    %ne3A_18 = arith.constant 0 : i32
    %ne3A_19 = arith.cmpi ne, %rem3A, %ne3A_18 : i32
    %and3A = arith.andi %ne3A, %ne3A_19 : i1
    %sub3A = arith.constant 1 : i32
    %sub3A_20 = arith.subi %div3A, %sub3A : i32
    %select_n3A = arith.select %and3A, %sub3A_20, %div3A : i32
    %add3A_21 = arith.constant 0 : i32
    %add3A_22 = arith.addi %add3A_21, %select_n3A : i32
    %jit3A_23 = arith.constant 50 : i32
    %eq3A = arith.constant 0 : i32
    %eq3A_24 = arith.cmpi eq, %jit3A_23, %eq3A : i32
    %jit3A_25 = arith.constant 1 : i32
    %select_n3A_26 = arith.select %eq3A_24, %jit3A_25, %jit3A_23 : i32
    %rem3A_27 = arith.remsi %add3A_22, %select_n3A_26 : i32
    %ne3A_28 = arith.constant 0 : i32
    %ne3A_29 = arith.cmpi ne, %rem3A_27, %ne3A_28 : i32
    %lt3A = arith.constant 0 : i32
    %lt3A_30 = arith.cmpi slt, %rem3A_27, %lt3A : i32
    %lt3A_31 = arith.constant 0 : i32
    %lt3A_32 = arith.cmpi slt, %select_n3A_26, %lt3A_31 : i32
    %ne3A_33 = arith.xori %lt3A_30, %lt3A_32 : i1
    %and3A_34 = arith.andi %ne3A_33, %ne3A_29 : i1
    %add3A_35 = arith.addi %rem3A_27, %select_n3A_26 : i32
    %select_n3A_36 = arith.select %and3A_34, %add3A_35, %rem3A_27 : i32
    %mul3A_37 = arith.constant 128 : i32
    %mul3A_38 = arith.muli %select_n3A_36, %mul3A_37 : i32
    %dma_start3A = tpu.memref_slice %arg5[%mul3A_38] : memref<6400xi32, #tpu.memory_space<vmem>> -> memref<128xi32, #tpu.memory_space<vmem>>
    %dma_start3A_39 = arith.constant 0 : i32
    %dma_start3A_40 = arith.constant 0 : i32
    %dma_start3A_41 = tpu.memref_slice %arg3[%dma_start3A_39, %dma_start3A_40] : memref<100000x128xf32, #tpu.memory_space<hbm>> -> memref<100000x128xf32, #tpu.memory_space<hbm>>
    tpu.enqueue_indirect_dma source(%dma_start3A_41 : memref<100000x128xf32, #tpu.memory_space<hbm>>) target(%arg6 : memref<128x128xf32, #tpu.memory_space<vmem>>) offsets(%dma_start3A : memref<128xi32, #tpu.memory_space<vmem>>) semaphore(%arg11 : memref<!tpu.dma_semaphore, #tpu.memory_space<semaphore_mem>>)
    %add3A_42 = arith.constant 1 : i32
    %add3A_43 = arith.addi %add3A_42, %select_n3A : i32
    %jit3A_44 = arith.constant 50 : i32
    %eq3A_45 = arith.constant 0 : i32
    %eq3A_46 = arith.cmpi eq, %jit3A_44, %eq3A_45 : i32
    %jit3A_47 = arith.constant 1 : i32
    %select_n3A_48 = arith.select %eq3A_46, %jit3A_47, %jit3A_44 : i32
    %rem3A_49 = arith.remsi %add3A_43, %select_n3A_48 : i32
    %ne3A_50 = arith.constant 0 : i32
    %ne3A_51 = arith.cmpi ne, %rem3A_49, %ne3A_50 : i32
    %lt3A_52 = arith.constant 0 : i32
    %lt3A_53 = arith.cmpi slt, %rem3A_49, %lt3A_52 : i32
    %lt3A_54 = arith.constant 0 : i32
    %lt3A_55 = arith.cmpi slt, %select_n3A_48, %lt3A_54 : i32
    %ne3A_56 = arith.xori %lt3A_53, %lt3A_55 : i1
    %and3A_57 = arith.andi %ne3A_56, %ne3A_51 : i1
    %add3A_58 = arith.addi %rem3A_49, %select_n3A_48 : i32
    %select_n3A_59 = arith.select %and3A_57, %add3A_58, %rem3A_49 : i32
    %mul3A_60 = arith.constant 128 : i32
    %mul3A_61 = arith.muli %select_n3A_59, %mul3A_60 : i32
    %dma_start3A_62 = tpu.memref_slice %arg5[%mul3A_61] : memref<6400xi32, #tpu.memory_space<vmem>> -> memref<128xi32, #tpu.memory_space<vmem>>
    %dma_start3A_63 = arith.constant 0 : i32
    %dma_start3A_64 = arith.constant 0 : i32
    %dma_start3A_65 = tpu.memref_slice %arg3[%dma_start3A_63, %dma_start3A_64] : memref<100000x128xf32, #tpu.memory_space<hbm>> -> memref<100000x128xf32, #tpu.memory_space<hbm>>
    tpu.enqueue_indirect_dma source(%dma_start3A_65 : memref<100000x128xf32, #tpu.memory_space<hbm>>) target(%arg7 : memref<128x128xf32, #tpu.memory_space<vmem>>) offsets(%dma_start3A_62 : memref<128xi32, #tpu.memory_space<vmem>>) semaphore(%arg12 : memref<!tpu.dma_semaphore, #tpu.memory_space<semaphore_mem>>)
    %scan3A = arith.constant 0 : i32
    %scan3A_66 = arith.constant 0 : i32
    %scan3A_67 = arith.constant 10 : i32
    %scan3A_68 = arith.addi %scan3A_66, %scan3A_67 : i32
    %scan3A_69 = arith.constant 1 : i32
    scf.for %scan3A_142 = %scan3A_66 to %scan3A_68 step %scan3A_69  : i32 {
      %mul3A_143 = arith.constant 5 : i32
      %mul3A_144 = arith.muli %scan3A_142, %mul3A_143 : i32
      %add3A_145 = arith.constant 0 : i32
      %add3A_146 = arith.addi %mul3A_144, %add3A_145 : i32
      %ge3A = arith.constant 3 : i32
      %ge3A_147 = arith.cmpi sge, %add3A_146, %ge3A : i32
      %convert_element_type3A = arith.extui %ge3A_147 : i1 to i32
      %cond3A = arith.constant 0 : i32
      %cond3A_148 = arith.cmpi ne, %convert_element_type3A, %cond3A : i32
      scf.if %cond3A_148 {
        %sub3A_450 = arith.constant 3 : i32
        %sub3A_451 = arith.subi %add3A_146, %sub3A_450 : i32
        %add3A_452 = arith.addi %sub3A_451, %select_n3A : i32
        %jit3A_453 = arith.constant 50 : i32
        %eq3A_454 = arith.constant 0 : i32
        %eq3A_455 = arith.cmpi eq, %jit3A_453, %eq3A_454 : i32
        %jit3A_456 = arith.constant 1 : i32
        %select_n3A_457 = arith.select %eq3A_455, %jit3A_456, %jit3A_453 : i32
        %rem3A_458 = arith.remsi %add3A_452, %select_n3A_457 : i32
        %ne3A_459 = arith.constant 0 : i32
        %ne3A_460 = arith.cmpi ne, %rem3A_458, %ne3A_459 : i32
        %lt3A_461 = arith.constant 0 : i32
        %lt3A_462 = arith.cmpi slt, %rem3A_458, %lt3A_461 : i32
        %lt3A_463 = arith.constant 0 : i32
        %lt3A_464 = arith.cmpi slt, %select_n3A_457, %lt3A_463 : i32
        %ne3A_465 = arith.xori %lt3A_462, %lt3A_464 : i1
        %and3A_466 = arith.andi %ne3A_465, %ne3A_460 : i1
        %add3A_467 = arith.addi %rem3A_458, %select_n3A_457 : i32
        %select_n3A_468 = arith.select %and3A_466, %add3A_467, %rem3A_458 : i32
        %dma_wait3A_469 = arith.constant 0 : i32
        %dma_wait3A_470 = tpu.memref_slice %arg4[%select_n3A_468, %mul3A_2, %dma_wait3A_469] : memref<50x4096x128xf32, #tpu.memory_space<hbm>> -> memref<1x128x128xf32, #tpu.memory_space<hbm>>
        %dma_wait3A_471 = tpu.memref_squeeze %dma_wait3A_470 : memref<1x128x128xf32, #tpu.memory_space<hbm>> -> memref<128x128xf32, #tpu.memory_space<hbm>>
        %dma_wait3A_472 = arith.constant 0 : i32
        %dma_wait3A_473 = tpu.memref_slice %arg4[%select_n3A_468, %mul3A_2, %dma_wait3A_472] : memref<50x4096x128xf32, #tpu.memory_space<hbm>> -> memref<1x128x128xf32, #tpu.memory_space<hbm>>
        %dma_wait3A_474 = tpu.memref_squeeze %dma_wait3A_473 : memref<1x128x128xf32, #tpu.memory_space<hbm>> -> memref<128x128xf32, #tpu.memory_space<hbm>>
        tpu.wait_dma2 semaphore(%arg18 : memref<!tpu.dma_semaphore, #tpu.memory_space<semaphore_mem>>) src(%arg8 : memref<128x128xf32, #tpu.memory_space<vmem>>) dst(%dma_wait3A_474 : memref<128x128xf32, #tpu.memory_space<hbm>>)
      } else {
      }
      %add3A_149 = arith.constant 2 : i32
      %add3A_150 = arith.addi %add3A_146, %add3A_149 : i32
      %lt3A_151 = arith.constant 50 : i32
      %lt3A_152 = arith.cmpi slt, %add3A_150, %lt3A_151 : i32
      %convert_element_type3A_153 = arith.extui %lt3A_152 : i1 to i32
      %cond3A_154 = arith.constant 0 : i32
      %cond3A_155 = arith.cmpi ne, %convert_element_type3A_153, %cond3A_154 : i32
      scf.if %cond3A_155 {
        %add3A_450 = arith.constant 2 : i32
        %add3A_451 = arith.addi %add3A_146, %add3A_450 : i32
        %add3A_452 = arith.addi %add3A_451, %select_n3A : i32
        %jit3A_453 = arith.constant 50 : i32
        %eq3A_454 = arith.constant 0 : i32
        %eq3A_455 = arith.cmpi eq, %jit3A_453, %eq3A_454 : i32
        %jit3A_456 = arith.constant 1 : i32
        %select_n3A_457 = arith.select %eq3A_455, %jit3A_456, %jit3A_453 : i32
        %rem3A_458 = arith.remsi %add3A_452, %select_n3A_457 : i32
        %ne3A_459 = arith.constant 0 : i32
        %ne3A_460 = arith.cmpi ne, %rem3A_458, %ne3A_459 : i32
        %lt3A_461 = arith.constant 0 : i32
        %lt3A_462 = arith.cmpi slt, %rem3A_458, %lt3A_461 : i32
        %lt3A_463 = arith.constant 0 : i32
        %lt3A_464 = arith.cmpi slt, %select_n3A_457, %lt3A_463 : i32
        %ne3A_465 = arith.xori %lt3A_462, %lt3A_464 : i1
        %and3A_466 = arith.andi %ne3A_465, %ne3A_460 : i1
        %add3A_467 = arith.addi %rem3A_458, %select_n3A_457 : i32
        %select_n3A_468 = arith.select %and3A_466, %add3A_467, %rem3A_458 : i32
        %mul3A_469 = arith.constant 128 : i32
        %mul3A_470 = arith.muli %select_n3A_468, %mul3A_469 : i32
        %dma_start3A_471 = tpu.memref_slice %arg5[%mul3A_470] : memref<6400xi32, #tpu.memory_space<vmem>> -> memref<128xi32, #tpu.memory_space<vmem>>
        %dma_start3A_472 = arith.constant 0 : i32
        %dma_start3A_473 = arith.constant 0 : i32
        %dma_start3A_474 = tpu.memref_slice %arg3[%dma_start3A_472, %dma_start3A_473] : memref<100000x128xf32, #tpu.memory_space<hbm>> -> memref<100000x128xf32, #tpu.memory_space<hbm>>
        tpu.enqueue_indirect_dma source(%dma_start3A_474 : memref<100000x128xf32, #tpu.memory_space<hbm>>) target(%arg8 : memref<128x128xf32, #tpu.memory_space<vmem>>) offsets(%dma_start3A_471 : memref<128xi32, #tpu.memory_space<vmem>>) semaphore(%arg13 : memref<!tpu.dma_semaphore, #tpu.memory_space<semaphore_mem>>)
      } else {
      }
      %add3A_156 = arith.addi %add3A_146, %select_n3A : i32
      %jit3A_157 = arith.constant 50 : i32
      %eq3A_158 = arith.constant 0 : i32
      %eq3A_159 = arith.cmpi eq, %jit3A_157, %eq3A_158 : i32
      %jit3A_160 = arith.constant 1 : i32
      %select_n3A_161 = arith.select %eq3A_159, %jit3A_160, %jit3A_157 : i32
      %rem3A_162 = arith.remsi %add3A_156, %select_n3A_161 : i32
      %ne3A_163 = arith.constant 0 : i32
      %ne3A_164 = arith.cmpi ne, %rem3A_162, %ne3A_163 : i32
      %lt3A_165 = arith.constant 0 : i32
      %lt3A_166 = arith.cmpi slt, %rem3A_162, %lt3A_165 : i32
      %lt3A_167 = arith.constant 0 : i32
      %lt3A_168 = arith.cmpi slt, %select_n3A_161, %lt3A_167 : i32
      %ne3A_169 = arith.xori %lt3A_166, %lt3A_168 : i1
      %and3A_170 = arith.andi %ne3A_169, %ne3A_164 : i1
      %add3A_171 = arith.addi %rem3A_162, %select_n3A_161 : i32
      %select_n3A_172 = arith.select %and3A_170, %add3A_171, %rem3A_162 : i32
      %mul3A_173 = arith.constant 128 : i32
      %mul3A_174 = arith.muli %select_n3A_172, %mul3A_173 : i32
      %dma_wait3A_175 = tpu.memref_slice %arg5[%mul3A_174] : memref<6400xi32, #tpu.memory_space<vmem>> -> memref<128xi32, #tpu.memory_space<vmem>>
      %dma_wait3A_176 = arith.constant 0 : i32
      %dma_wait3A_177 = arith.constant 0 : i32
      %dma_wait3A_178 = tpu.memref_slice %arg3[%dma_wait3A_176, %dma_wait3A_177] : memref<100000x128xf32, #tpu.memory_space<hbm>> -> memref<100000x128xf32, #tpu.memory_space<hbm>>
      tpu.wait_indirect_dma semaphore(%arg11 : memref<!tpu.dma_semaphore, #tpu.memory_space<semaphore_mem>>) src(%dma_wait3A_178 : memref<100000x128xf32, #tpu.memory_space<hbm>>) dst(%arg6 : memref<128x128xf32, #tpu.memory_space<vmem>>)
      %add3A_179 = arith.addi %add3A_146, %select_n3A : i32
      %jit3A_180 = arith.constant 50 : i32
      %eq3A_181 = arith.constant 0 : i32
      %eq3A_182 = arith.cmpi eq, %jit3A_180, %eq3A_181 : i32
      %jit3A_183 = arith.constant 1 : i32
      %select_n3A_184 = arith.select %eq3A_182, %jit3A_183, %jit3A_180 : i32
      %rem3A_185 = arith.remsi %add3A_179, %select_n3A_184 : i32
      %ne3A_186 = arith.constant 0 : i32
      %ne3A_187 = arith.cmpi ne, %rem3A_185, %ne3A_186 : i32
      %lt3A_188 = arith.constant 0 : i32
      %lt3A_189 = arith.cmpi slt, %rem3A_185, %lt3A_188 : i32
      %lt3A_190 = arith.constant 0 : i32
      %lt3A_191 = arith.cmpi slt, %select_n3A_184, %lt3A_190 : i32
      %ne3A_192 = arith.xori %lt3A_189, %lt3A_191 : i1
      %and3A_193 = arith.andi %ne3A_192, %ne3A_187 : i1
      %add3A_194 = arith.addi %rem3A_185, %select_n3A_184 : i32
      %select_n3A_195 = arith.select %and3A_193, %add3A_194, %rem3A_185 : i32
      %dma_start3A_196 = arith.constant 0 : i32
      %dma_start3A_197 = tpu.memref_slice %arg4[%select_n3A_195, %mul3A_2, %dma_start3A_196] : memref<50x4096x128xf32, #tpu.memory_space<hbm>> -> memref<1x128x128xf32, #tpu.memory_space<hbm>>
      %dma_start3A_198 = tpu.memref_squeeze %dma_start3A_197 : memref<1x128x128xf32, #tpu.memory_space<hbm>> -> memref<128x128xf32, #tpu.memory_space<hbm>>
      %dma_start3A_199 = arith.constant 0 : i32
      %dma_start3A_200 = tpu.memref_slice %arg4[%select_n3A_195, %mul3A_2, %dma_start3A_199] : memref<50x4096x128xf32, #tpu.memory_space<hbm>> -> memref<1x128x128xf32, #tpu.memory_space<hbm>>
      %dma_start3A_201 = tpu.memref_squeeze %dma_start3A_200 : memref<1x128x128xf32, #tpu.memory_space<hbm>> -> memref<128x128xf32, #tpu.memory_space<hbm>>
      tpu.enqueue_dma source(%arg6 : memref<128x128xf32, #tpu.memory_space<vmem>>) target(%dma_start3A_201 : memref<128x128xf32, #tpu.memory_space<hbm>>) target_semaphore(%arg16 : memref<!tpu.dma_semaphore, #tpu.memory_space<semaphore_mem>>)
      %mul3A_202 = arith.constant 5 : i32
      %mul3A_203 = arith.muli %scan3A_142, %mul3A_202 : i32
      %add3A_204 = arith.constant 1 : i32
      %add3A_205 = arith.addi %mul3A_203, %add3A_204 : i32
      %ge3A_206 = arith.constant 3 : i32
      %ge3A_207 = arith.cmpi sge, %add3A_205, %ge3A_206 : i32
      %convert_element_type3A_208 = arith.extui %ge3A_207 : i1 to i32
      %cond3A_209 = arith.constant 0 : i32
      %cond3A_210 = arith.cmpi ne, %convert_element_type3A_208, %cond3A_209 : i32
      scf.if %cond3A_210 {
        %sub3A_450 = arith.constant 3 : i32
        %sub3A_451 = arith.subi %add3A_205, %sub3A_450 : i32
        %add3A_452 = arith.addi %sub3A_451, %select_n3A : i32
        %jit3A_453 = arith.constant 50 : i32
        %eq3A_454 = arith.constant 0 : i32
        %eq3A_455 = arith.cmpi eq, %jit3A_453, %eq3A_454 : i32
        %jit3A_456 = arith.constant 1 : i32
        %select_n3A_457 = arith.select %eq3A_455, %jit3A_456, %jit3A_453 : i32
        %rem3A_458 = arith.remsi %add3A_452, %select_n3A_457 : i32
        %ne3A_459 = arith.constant 0 : i32
        %ne3A_460 = arith.cmpi ne, %rem3A_458, %ne3A_459 : i32
        %lt3A_461 = arith.constant 0 : i32
        %lt3A_462 = arith.cmpi slt, %rem3A_458, %lt3A_461 : i32
        %lt3A_463 = arith.constant 0 : i32
        %lt3A_464 = arith.cmpi slt, %select_n3A_457, %lt3A_463 : i32
        %ne3A_465 = arith.xori %lt3A_462, %lt3A_464 : i1
        %and3A_466 = arith.andi %ne3A_465, %ne3A_460 : i1
        %add3A_467 = arith.addi %rem3A_458, %select_n3A_457 : i32
        %select_n3A_468 = arith.select %and3A_466, %add3A_467, %rem3A_458 : i32
        %dma_wait3A_469 = arith.constant 0 : i32
        %dma_wait3A_470 = tpu.memref_slice %arg4[%select_n3A_468, %mul3A_2, %dma_wait3A_469] : memref<50x4096x128xf32, #tpu.memory_space<hbm>> -> memref<1x128x128xf32, #tpu.memory_space<hbm>>
        %dma_wait3A_471 = tpu.memref_squeeze %dma_wait3A_470 : memref<1x128x128xf32, #tpu.memory_space<hbm>> -> memref<128x128xf32, #tpu.memory_space<hbm>>
        %dma_wait3A_472 = arith.constant 0 : i32
        %dma_wait3A_473 = tpu.memref_slice %arg4[%select_n3A_468, %mul3A_2, %dma_wait3A_472] : memref<50x4096x128xf32, #tpu.memory_space<hbm>> -> memref<1x128x128xf32, #tpu.memory_space<hbm>>
        %dma_wait3A_474 = tpu.memref_squeeze %dma_wait3A_473 : memref<1x128x128xf32, #tpu.memory_space<hbm>> -> memref<128x128xf32, #tpu.memory_space<hbm>>
        tpu.wait_dma2 semaphore(%arg19 : memref<!tpu.dma_semaphore, #tpu.memory_space<semaphore_mem>>) src(%arg9 : memref<128x128xf32, #tpu.memory_space<vmem>>) dst(%dma_wait3A_474 : memref<128x128xf32, #tpu.memory_space<hbm>>)
      } else {
      }
      %add3A_211 = arith.constant 2 : i32
      %add3A_212 = arith.addi %add3A_205, %add3A_211 : i32
      %lt3A_213 = arith.constant 50 : i32
      %lt3A_214 = arith.cmpi slt, %add3A_212, %lt3A_213 : i32
      %convert_element_type3A_215 = arith.extui %lt3A_214 : i1 to i32
      %cond3A_216 = arith.constant 0 : i32
      %cond3A_217 = arith.cmpi ne, %convert_element_type3A_215, %cond3A_216 : i32
      scf.if %cond3A_217 {
        %add3A_450 = arith.constant 2 : i32
        %add3A_451 = arith.addi %add3A_205, %add3A_450 : i32
        %add3A_452 = arith.addi %add3A_451, %select_n3A : i32
        %jit3A_453 = arith.constant 50 : i32
        %eq3A_454 = arith.constant 0 : i32
        %eq3A_455 = arith.cmpi eq, %jit3A_453, %eq3A_454 : i32
        %jit3A_456 = arith.constant 1 : i32
        %select_n3A_457 = arith.select %eq3A_455, %jit3A_456, %jit3A_453 : i32
        %rem3A_458 = arith.remsi %add3A_452, %select_n3A_457 : i32
        %ne3A_459 = arith.constant 0 : i32
        %ne3A_460 = arith.cmpi ne, %rem3A_458, %ne3A_459 : i32
        %lt3A_461 = arith.constant 0 : i32
        %lt3A_462 = arith.cmpi slt, %rem3A_458, %lt3A_461 : i32
        %lt3A_463 = arith.constant 0 : i32
        %lt3A_464 = arith.cmpi slt, %select_n3A_457, %lt3A_463 : i32
        %ne3A_465 = arith.xori %lt3A_462, %lt3A_464 : i1
        %and3A_466 = arith.andi %ne3A_465, %ne3A_460 : i1
        %add3A_467 = arith.addi %rem3A_458, %select_n3A_457 : i32
        %select_n3A_468 = arith.select %and3A_466, %add3A_467, %rem3A_458 : i32
        %mul3A_469 = arith.constant 128 : i32
        %mul3A_470 = arith.muli %select_n3A_468, %mul3A_469 : i32
        %dma_start3A_471 = tpu.memref_slice %arg5[%mul3A_470] : memref<6400xi32, #tpu.memory_space<vmem>> -> memref<128xi32, #tpu.memory_space<vmem>>
        %dma_start3A_472 = arith.constant 0 : i32
        %dma_start3A_473 = arith.constant 0 : i32
        %dma_start3A_474 = tpu.memref_slice %arg3[%dma_start3A_472, %dma_start3A_473] : memref<100000x128xf32, #tpu.memory_space<hbm>> -> memref<100000x128xf32, #tpu.memory_space<hbm>>
        tpu.enqueue_indirect_dma source(%dma_start3A_474 : memref<100000x128xf32, #tpu.memory_space<hbm>>) target(%arg9 : memref<128x128xf32, #tpu.memory_space<vmem>>) offsets(%dma_start3A_471 : memref<128xi32, #tpu.memory_space<vmem>>) semaphore(%arg14 : memref<!tpu.dma_semaphore, #tpu.memory_space<semaphore_mem>>)
      } else {
      }
      %add3A_218 = arith.addi %add3A_205, %select_n3A : i32
      %jit3A_219 = arith.constant 50 : i32
      %eq3A_220 = arith.constant 0 : i32
      %eq3A_221 = arith.cmpi eq, %jit3A_219, %eq3A_220 : i32
      %jit3A_222 = arith.constant 1 : i32
      %select_n3A_223 = arith.select %eq3A_221, %jit3A_222, %jit3A_219 : i32
      %rem3A_224 = arith.remsi %add3A_218, %select_n3A_223 : i32
      %ne3A_225 = arith.constant 0 : i32
      %ne3A_226 = arith.cmpi ne, %rem3A_224, %ne3A_225 : i32
      %lt3A_227 = arith.constant 0 : i32
      %lt3A_228 = arith.cmpi slt, %rem3A_224, %lt3A_227 : i32
      %lt3A_229 = arith.constant 0 : i32
      %lt3A_230 = arith.cmpi slt, %select_n3A_223, %lt3A_229 : i32
      %ne3A_231 = arith.xori %lt3A_228, %lt3A_230 : i1
      %and3A_232 = arith.andi %ne3A_231, %ne3A_226 : i1
      %add3A_233 = arith.addi %rem3A_224, %select_n3A_223 : i32
      %select_n3A_234 = arith.select %and3A_232, %add3A_233, %rem3A_224 : i32
      %mul3A_235 = arith.constant 128 : i32
      %mul3A_236 = arith.muli %select_n3A_234, %mul3A_235 : i32
      %dma_wait3A_237 = tpu.memref_slice %arg5[%mul3A_236] : memref<6400xi32, #tpu.memory_space<vmem>> -> memref<128xi32, #tpu.memory_space<vmem>>
      %dma_wait3A_238 = arith.constant 0 : i32
      %dma_wait3A_239 = arith.constant 0 : i32
      %dma_wait3A_240 = tpu.memref_slice %arg3[%dma_wait3A_238, %dma_wait3A_239] : memref<100000x128xf32, #tpu.memory_space<hbm>> -> memref<100000x128xf32, #tpu.memory_space<hbm>>
      tpu.wait_indirect_dma semaphore(%arg12 : memref<!tpu.dma_semaphore, #tpu.memory_space<semaphore_mem>>) src(%dma_wait3A_240 : memref<100000x128xf32, #tpu.memory_space<hbm>>) dst(%arg7 : memref<128x128xf32, #tpu.memory_space<vmem>>)
      %add3A_241 = arith.addi %add3A_205, %select_n3A : i32
      %jit3A_242 = arith.constant 50 : i32
      %eq3A_243 = arith.constant 0 : i32
      %eq3A_244 = arith.cmpi eq, %jit3A_242, %eq3A_243 : i32
      %jit3A_245 = arith.constant 1 : i32
      %select_n3A_246 = arith.select %eq3A_244, %jit3A_245, %jit3A_242 : i32
      %rem3A_247 = arith.remsi %add3A_241, %select_n3A_246 : i32
      %ne3A_248 = arith.constant 0 : i32
      %ne3A_249 = arith.cmpi ne, %rem3A_247, %ne3A_248 : i32
      %lt3A_250 = arith.constant 0 : i32
      %lt3A_251 = arith.cmpi slt, %rem3A_247, %lt3A_250 : i32
      %lt3A_252 = arith.constant 0 : i32
      %lt3A_253 = arith.cmpi slt, %select_n3A_246, %lt3A_252 : i32
      %ne3A_254 = arith.xori %lt3A_251, %lt3A_253 : i1
      %and3A_255 = arith.andi %ne3A_254, %ne3A_249 : i1
      %add3A_256 = arith.addi %rem3A_247, %select_n3A_246 : i32
      %select_n3A_257 = arith.select %and3A_255, %add3A_256, %rem3A_247 : i32
      %dma_start3A_258 = arith.constant 0 : i32
      %dma_start3A_259 = tpu.memref_slice %arg4[%select_n3A_257, %mul3A_2, %dma_start3A_258] : memref<50x4096x128xf32, #tpu.memory_space<hbm>> -> memref<1x128x128xf32, #tpu.memory_space<hbm>>
      %dma_start3A_260 = tpu.memref_squeeze %dma_start3A_259 : memref<1x128x128xf32, #tpu.memory_space<hbm>> -> memref<128x128xf32, #tpu.memory_space<hbm>>
      %dma_start3A_261 = arith.constant 0 : i32
      %dma_start3A_262 = tpu.memref_slice %arg4[%select_n3A_257, %mul3A_2, %dma_start3A_261] : memref<50x4096x128xf32, #tpu.memory_space<hbm>> -> memref<1x128x128xf32, #tpu.memory_space<hbm>>
      %dma_start3A_263 = tpu.memref_squeeze %dma_start3A_262 : memref<1x128x128xf32, #tpu.memory_space<hbm>> -> memref<128x128xf32, #tpu.memory_space<hbm>>
      tpu.enqueue_dma source(%arg7 : memref<128x128xf32, #tpu.memory_space<vmem>>) target(%dma_start3A_263 : memref<128x128xf32, #tpu.memory_space<hbm>>) target_semaphore(%arg17 : memref<!tpu.dma_semaphore, #tpu.memory_space<semaphore_mem>>)
      %mul3A_264 = arith.constant 5 : i32
      %mul3A_265 = arith.muli %scan3A_142, %mul3A_264 : i32
      %add3A_266 = arith.constant 2 : i32
      %add3A_267 = arith.addi %mul3A_265, %add3A_266 : i32
      %ge3A_268 = arith.constant 3 : i32
      %ge3A_269 = arith.cmpi sge, %add3A_267, %ge3A_268 : i32
      %convert_element_type3A_270 = arith.extui %ge3A_269 : i1 to i32
      %cond3A_271 = arith.constant 0 : i32
      %cond3A_272 = arith.cmpi ne, %convert_element_type3A_270, %cond3A_271 : i32
      scf.if %cond3A_272 {
        %sub3A_450 = arith.constant 3 : i32
        %sub3A_451 = arith.subi %add3A_267, %sub3A_450 : i32
        %add3A_452 = arith.addi %sub3A_451, %select_n3A : i32
        %jit3A_453 = arith.constant 50 : i32
        %eq3A_454 = arith.constant 0 : i32
        %eq3A_455 = arith.cmpi eq, %jit3A_453, %eq3A_454 : i32
        %jit3A_456 = arith.constant 1 : i32
        %select_n3A_457 = arith.select %eq3A_455, %jit3A_456, %jit3A_453 : i32
        %rem3A_458 = arith.remsi %add3A_452, %select_n3A_457 : i32
        %ne3A_459 = arith.constant 0 : i32
        %ne3A_460 = arith.cmpi ne, %rem3A_458, %ne3A_459 : i32
        %lt3A_461 = arith.constant 0 : i32
        %lt3A_462 = arith.cmpi slt, %rem3A_458, %lt3A_461 : i32
        %lt3A_463 = arith.constant 0 : i32
        %lt3A_464 = arith.cmpi slt, %select_n3A_457, %lt3A_463 : i32
        %ne3A_465 = arith.xori %lt3A_462, %lt3A_464 : i1
        %and3A_466 = arith.andi %ne3A_465, %ne3A_460 : i1
        %add3A_467 = arith.addi %rem3A_458, %select_n3A_457 : i32
        %select_n3A_468 = arith.select %and3A_466, %add3A_467, %rem3A_458 : i32
        %dma_wait3A_469 = arith.constant 0 : i32
        %dma_wait3A_470 = tpu.memref_slice %arg4[%select_n3A_468, %mul3A_2, %dma_wait3A_469] : memref<50x4096x128xf32, #tpu.memory_space<hbm>> -> memref<1x128x128xf32, #tpu.memory_space<hbm>>
        %dma_wait3A_471 = tpu.memref_squeeze %dma_wait3A_470 : memref<1x128x128xf32, #tpu.memory_space<hbm>> -> memref<128x128xf32, #tpu.memory_space<hbm>>
        %dma_wait3A_472 = arith.constant 0 : i32
        %dma_wait3A_473 = tpu.memref_slice %arg4[%select_n3A_468, %mul3A_2, %dma_wait3A_472] : memref<50x4096x128xf32, #tpu.memory_space<hbm>> -> memref<1x128x128xf32, #tpu.memory_space<hbm>>
        %dma_wait3A_474 = tpu.memref_squeeze %dma_wait3A_473 : memref<1x128x128xf32, #tpu.memory_space<hbm>> -> memref<128x128xf32, #tpu.memory_space<hbm>>
        tpu.wait_dma2 semaphore(%arg20 : memref<!tpu.dma_semaphore, #tpu.memory_space<semaphore_mem>>) src(%arg10 : memref<128x128xf32, #tpu.memory_space<vmem>>) dst(%dma_wait3A_474 : memref<128x128xf32, #tpu.memory_space<hbm>>)
      } else {
      }
      %add3A_273 = arith.constant 2 : i32
      %add3A_274 = arith.addi %add3A_267, %add3A_273 : i32
      %lt3A_275 = arith.constant 50 : i32
      %lt3A_276 = arith.cmpi slt, %add3A_274, %lt3A_275 : i32
      %convert_element_type3A_277 = arith.extui %lt3A_276 : i1 to i32
      %cond3A_278 = arith.constant 0 : i32
      %cond3A_279 = arith.cmpi ne, %convert_element_type3A_277, %cond3A_278 : i32
      scf.if %cond3A_279 {
        %add3A_450 = arith.constant 2 : i32
        %add3A_451 = arith.addi %add3A_267, %add3A_450 : i32
        %add3A_452 = arith.addi %add3A_451, %select_n3A : i32
        %jit3A_453 = arith.constant 50 : i32
        %eq3A_454 = arith.constant 0 : i32
        %eq3A_455 = arith.cmpi eq, %jit3A_453, %eq3A_454 : i32
        %jit3A_456 = arith.constant 1 : i32
        %select_n3A_457 = arith.select %eq3A_455, %jit3A_456, %jit3A_453 : i32
        %rem3A_458 = arith.remsi %add3A_452, %select_n3A_457 : i32
        %ne3A_459 = arith.constant 0 : i32
        %ne3A_460 = arith.cmpi ne, %rem3A_458, %ne3A_459 : i32
        %lt3A_461 = arith.constant 0 : i32
        %lt3A_462 = arith.cmpi slt, %rem3A_458, %lt3A_461 : i32
        %lt3A_463 = arith.constant 0 : i32
        %lt3A_464 = arith.cmpi slt, %select_n3A_457, %lt3A_463 : i32
        %ne3A_465 = arith.xori %lt3A_462, %lt3A_464 : i1
        %and3A_466 = arith.andi %ne3A_465, %ne3A_460 : i1
        %add3A_467 = arith.addi %rem3A_458, %select_n3A_457 : i32
        %select_n3A_468 = arith.select %and3A_466, %add3A_467, %rem3A_458 : i32
        %mul3A_469 = arith.constant 128 : i32
        %mul3A_470 = arith.muli %select_n3A_468, %mul3A_469 : i32
        %dma_start3A_471 = tpu.memref_slice %arg5[%mul3A_470] : memref<6400xi32, #tpu.memory_space<vmem>> -> memref<128xi32, #tpu.memory_space<vmem>>
        %dma_start3A_472 = arith.constant 0 : i32
        %dma_start3A_473 = arith.constant 0 : i32
        %dma_start3A_474 = tpu.memref_slice %arg3[%dma_start3A_472, %dma_start3A_473] : memref<100000x128xf32, #tpu.memory_space<hbm>> -> memref<100000x128xf32, #tpu.memory_space<hbm>>
        tpu.enqueue_indirect_dma source(%dma_start3A_474 : memref<100000x128xf32, #tpu.memory_space<hbm>>) target(%arg10 : memref<128x128xf32, #tpu.memory_space<vmem>>) offsets(%dma_start3A_471 : memref<128xi32, #tpu.memory_space<vmem>>) semaphore(%arg15 : memref<!tpu.dma_semaphore, #tpu.memory_space<semaphore_mem>>)
      } else {
      }
      %add3A_280 = arith.addi %add3A_267, %select_n3A : i32
      %jit3A_281 = arith.constant 50 : i32
      %eq3A_282 = arith.constant 0 : i32
      %eq3A_283 = arith.cmpi eq, %jit3A_281, %eq3A_282 : i32
      %jit3A_284 = arith.constant 1 : i32
      %select_n3A_285 = arith.select %eq3A_283, %jit3A_284, %jit3A_281 : i32
      %rem3A_286 = arith.remsi %add3A_280, %select_n3A_285 : i32
      %ne3A_287 = arith.constant 0 : i32
      %ne3A_288 = arith.cmpi ne, %rem3A_286, %ne3A_287 : i32
      %lt3A_289 = arith.constant 0 : i32
      %lt3A_290 = arith.cmpi slt, %rem3A_286, %lt3A_289 : i32
      %lt3A_291 = arith.constant 0 : i32
      %lt3A_292 = arith.cmpi slt, %select_n3A_285, %lt3A_291 : i32
      %ne3A_293 = arith.xori %lt3A_290, %lt3A_292 : i1
      %and3A_294 = arith.andi %ne3A_293, %ne3A_288 : i1
      %add3A_295 = arith.addi %rem3A_286, %select_n3A_285 : i32
      %select_n3A_296 = arith.select %and3A_294, %add3A_295, %rem3A_286 : i32
      %mul3A_297 = arith.constant 128 : i32
      %mul3A_298 = arith.muli %select_n3A_296, %mul3A_297 : i32
      %dma_wait3A_299 = tpu.memref_slice %arg5[%mul3A_298] : memref<6400xi32, #tpu.memory_space<vmem>> -> memref<128xi32, #tpu.memory_space<vmem>>
      %dma_wait3A_300 = arith.constant 0 : i32
      %dma_wait3A_301 = arith.constant 0 : i32
      %dma_wait3A_302 = tpu.memref_slice %arg3[%dma_wait3A_300, %dma_wait3A_301] : memref<100000x128xf32, #tpu.memory_space<hbm>> -> memref<100000x128xf32, #tpu.memory_space<hbm>>
      tpu.wait_indirect_dma semaphore(%arg13 : memref<!tpu.dma_semaphore, #tpu.memory_space<semaphore_mem>>) src(%dma_wait3A_302 : memref<100000x128xf32, #tpu.memory_space<hbm>>) dst(%arg8 : memref<128x128xf32, #tpu.memory_space<vmem>>)
      %add3A_303 = arith.addi %add3A_267, %select_n3A : i32
      %jit3A_304 = arith.constant 50 : i32
      %eq3A_305 = arith.constant 0 : i32
      %eq3A_306 = arith.cmpi eq, %jit3A_304, %eq3A_305 : i32
      %jit3A_307 = arith.constant 1 : i32
      %select_n3A_308 = arith.select %eq3A_306, %jit3A_307, %jit3A_304 : i32
      %rem3A_309 = arith.remsi %add3A_303, %select_n3A_308 : i32
      %ne3A_310 = arith.constant 0 : i32
      %ne3A_311 = arith.cmpi ne, %rem3A_309, %ne3A_310 : i32
      %lt3A_312 = arith.constant 0 : i32
      %lt3A_313 = arith.cmpi slt, %rem3A_309, %lt3A_312 : i32
      %lt3A_314 = arith.constant 0 : i32
      %lt3A_315 = arith.cmpi slt, %select_n3A_308, %lt3A_314 : i32
      %ne3A_316 = arith.xori %lt3A_313, %lt3A_315 : i1
      %and3A_317 = arith.andi %ne3A_316, %ne3A_311 : i1
      %add3A_318 = arith.addi %rem3A_309, %select_n3A_308 : i32
      %select_n3A_319 = arith.select %and3A_317, %add3A_318, %rem3A_309 : i32
      %dma_start3A_320 = arith.constant 0 : i32
      %dma_start3A_321 = tpu.memref_slice %arg4[%select_n3A_319, %mul3A_2, %dma_start3A_320] : memref<50x4096x128xf32, #tpu.memory_space<hbm>> -> memref<1x128x128xf32, #tpu.memory_space<hbm>>
      %dma_start3A_322 = tpu.memref_squeeze %dma_start3A_321 : memref<1x128x128xf32, #tpu.memory_space<hbm>> -> memref<128x128xf32, #tpu.memory_space<hbm>>
      %dma_start3A_323 = arith.constant 0 : i32
      %dma_start3A_324 = tpu.memref_slice %arg4[%select_n3A_319, %mul3A_2, %dma_start3A_323] : memref<50x4096x128xf32, #tpu.memory_space<hbm>> -> memref<1x128x128xf32, #tpu.memory_space<hbm>>
      %dma_start3A_325 = tpu.memref_squeeze %dma_start3A_324 : memref<1x128x128xf32, #tpu.memory_space<hbm>> -> memref<128x128xf32, #tpu.memory_space<hbm>>
      tpu.enqueue_dma source(%arg8 : memref<128x128xf32, #tpu.memory_space<vmem>>) target(%dma_start3A_325 : memref<128x128xf32, #tpu.memory_space<hbm>>) target_semaphore(%arg18 : memref<!tpu.dma_semaphore, #tpu.memory_space<semaphore_mem>>)
      %mul3A_326 = arith.constant 5 : i32
      %mul3A_327 = arith.muli %scan3A_142, %mul3A_326 : i32
      %add3A_328 = arith.constant 3 : i32
      %add3A_329 = arith.addi %mul3A_327, %add3A_328 : i32
      %ge3A_330 = arith.constant 3 : i32
      %ge3A_331 = arith.cmpi sge, %add3A_329, %ge3A_330 : i32
      %convert_element_type3A_332 = arith.extui %ge3A_331 : i1 to i32
      %cond3A_333 = arith.constant 0 : i32
      %cond3A_334 = arith.cmpi ne, %convert_element_type3A_332, %cond3A_333 : i32
      scf.if %cond3A_334 {
        %sub3A_450 = arith.constant 3 : i32
        %sub3A_451 = arith.subi %add3A_329, %sub3A_450 : i32
        %add3A_452 = arith.addi %sub3A_451, %select_n3A : i32
        %jit3A_453 = arith.constant 50 : i32
        %eq3A_454 = arith.constant 0 : i32
        %eq3A_455 = arith.cmpi eq, %jit3A_453, %eq3A_454 : i32
        %jit3A_456 = arith.constant 1 : i32
        %select_n3A_457 = arith.select %eq3A_455, %jit3A_456, %jit3A_453 : i32
        %rem3A_458 = arith.remsi %add3A_452, %select_n3A_457 : i32
        %ne3A_459 = arith.constant 0 : i32
        %ne3A_460 = arith.cmpi ne, %rem3A_458, %ne3A_459 : i32
        %lt3A_461 = arith.constant 0 : i32
        %lt3A_462 = arith.cmpi slt, %rem3A_458, %lt3A_461 : i32
        %lt3A_463 = arith.constant 0 : i32
        %lt3A_464 = arith.cmpi slt, %select_n3A_457, %lt3A_463 : i32
        %ne3A_465 = arith.xori %lt3A_462, %lt3A_464 : i1
        %and3A_466 = arith.andi %ne3A_465, %ne3A_460 : i1
        %add3A_467 = arith.addi %rem3A_458, %select_n3A_457 : i32
        %select_n3A_468 = arith.select %and3A_466, %add3A_467, %rem3A_458 : i32
        %dma_wait3A_469 = arith.constant 0 : i32
        %dma_wait3A_470 = tpu.memref_slice %arg4[%select_n3A_468, %mul3A_2, %dma_wait3A_469] : memref<50x4096x128xf32, #tpu.memory_space<hbm>> -> memref<1x128x128xf32, #tpu.memory_space<hbm>>
        %dma_wait3A_471 = tpu.memref_squeeze %dma_wait3A_470 : memref<1x128x128xf32, #tpu.memory_space<hbm>> -> memref<128x128xf32, #tpu.memory_space<hbm>>
        %dma_wait3A_472 = arith.constant 0 : i32
        %dma_wait3A_473 = tpu.memref_slice %arg4[%select_n3A_468, %mul3A_2, %dma_wait3A_472] : memref<50x4096x128xf32, #tpu.memory_space<hbm>> -> memref<1x128x128xf32, #tpu.memory_space<hbm>>
        %dma_wait3A_474 = tpu.memref_squeeze %dma_wait3A_473 : memref<1x128x128xf32, #tpu.memory_space<hbm>> -> memref<128x128xf32, #tpu.memory_space<hbm>>
        tpu.wait_dma2 semaphore(%arg16 : memref<!tpu.dma_semaphore, #tpu.memory_space<semaphore_mem>>) src(%arg6 : memref<128x128xf32, #tpu.memory_space<vmem>>) dst(%dma_wait3A_474 : memref<128x128xf32, #tpu.memory_space<hbm>>)
      } else {
      }
      %add3A_335 = arith.constant 2 : i32
      %add3A_336 = arith.addi %add3A_329, %add3A_335 : i32
      %lt3A_337 = arith.constant 50 : i32
      %lt3A_338 = arith.cmpi slt, %add3A_336, %lt3A_337 : i32
      %convert_element_type3A_339 = arith.extui %lt3A_338 : i1 to i32
      %cond3A_340 = arith.constant 0 : i32
      %cond3A_341 = arith.cmpi ne, %convert_element_type3A_339, %cond3A_340 : i32
      scf.if %cond3A_341 {
        %add3A_450 = arith.constant 2 : i32
        %add3A_451 = arith.addi %add3A_329, %add3A_450 : i32
        %add3A_452 = arith.addi %add3A_451, %select_n3A : i32
        %jit3A_453 = arith.constant 50 : i32
        %eq3A_454 = arith.constant 0 : i32
        %eq3A_455 = arith.cmpi eq, %jit3A_453, %eq3A_454 : i32
        %jit3A_456 = arith.constant 1 : i32
        %select_n3A_457 = arith.select %eq3A_455, %jit3A_456, %jit3A_453 : i32
        %rem3A_458 = arith.remsi %add3A_452, %select_n3A_457 : i32
        %ne3A_459 = arith.constant 0 : i32
        %ne3A_460 = arith.cmpi ne, %rem3A_458, %ne3A_459 : i32
        %lt3A_461 = arith.constant 0 : i32
        %lt3A_462 = arith.cmpi slt, %rem3A_458, %lt3A_461 : i32
        %lt3A_463 = arith.constant 0 : i32
        %lt3A_464 = arith.cmpi slt, %select_n3A_457, %lt3A_463 : i32
        %ne3A_465 = arith.xori %lt3A_462, %lt3A_464 : i1
        %and3A_466 = arith.andi %ne3A_465, %ne3A_460 : i1
        %add3A_467 = arith.addi %rem3A_458, %select_n3A_457 : i32
        %select_n3A_468 = arith.select %and3A_466, %add3A_467, %rem3A_458 : i32
        %mul3A_469 = arith.constant 128 : i32
        %mul3A_470 = arith.muli %select_n3A_468, %mul3A_469 : i32
        %dma_start3A_471 = tpu.memref_slice %arg5[%mul3A_470] : memref<6400xi32, #tpu.memory_space<vmem>> -> memref<128xi32, #tpu.memory_space<vmem>>
        %dma_start3A_472 = arith.constant 0 : i32
        %dma_start3A_473 = arith.constant 0 : i32
        %dma_start3A_474 = tpu.memref_slice %arg3[%dma_start3A_472, %dma_start3A_473] : memref<100000x128xf32, #tpu.memory_space<hbm>> -> memref<100000x128xf32, #tpu.memory_space<hbm>>
        tpu.enqueue_indirect_dma source(%dma_start3A_474 : memref<100000x128xf32, #tpu.memory_space<hbm>>) target(%arg6 : memref<128x128xf32, #tpu.memory_space<vmem>>) offsets(%dma_start3A_471 : memref<128xi32, #tpu.memory_space<vmem>>) semaphore(%arg11 : memref<!tpu.dma_semaphore, #tpu.memory_space<semaphore_mem>>)
      } else {
      }
      %add3A_342 = arith.addi %add3A_329, %select_n3A : i32
      %jit3A_343 = arith.constant 50 : i32
      %eq3A_344 = arith.constant 0 : i32
      %eq3A_345 = arith.cmpi eq, %jit3A_343, %eq3A_344 : i32
      %jit3A_346 = arith.constant 1 : i32
      %select_n3A_347 = arith.select %eq3A_345, %jit3A_346, %jit3A_343 : i32
      %rem3A_348 = arith.remsi %add3A_342, %select_n3A_347 : i32
      %ne3A_349 = arith.constant 0 : i32
      %ne3A_350 = arith.cmpi ne, %rem3A_348, %ne3A_349 : i32
      %lt3A_351 = arith.constant 0 : i32
      %lt3A_352 = arith.cmpi slt, %rem3A_348, %lt3A_351 : i32
      %lt3A_353 = arith.constant 0 : i32
      %lt3A_354 = arith.cmpi slt, %select_n3A_347, %lt3A_353 : i32
      %ne3A_355 = arith.xori %lt3A_352, %lt3A_354 : i1
      %and3A_356 = arith.andi %ne3A_355, %ne3A_350 : i1
      %add3A_357 = arith.addi %rem3A_348, %select_n3A_347 : i32
      %select_n3A_358 = arith.select %and3A_356, %add3A_357, %rem3A_348 : i32
      %mul3A_359 = arith.constant 128 : i32
      %mul3A_360 = arith.muli %select_n3A_358, %mul3A_359 : i32
      %dma_wait3A_361 = tpu.memref_slice %arg5[%mul3A_360] : memref<6400xi32, #tpu.memory_space<vmem>> -> memref<128xi32, #tpu.memory_space<vmem>>
      %dma_wait3A_362 = arith.constant 0 : i32
      %dma_wait3A_363 = arith.constant 0 : i32
      %dma_wait3A_364 = tpu.memref_slice %arg3[%dma_wait3A_362, %dma_wait3A_363] : memref<100000x128xf32, #tpu.memory_space<hbm>> -> memref<100000x128xf32, #tpu.memory_space<hbm>>
      tpu.wait_indirect_dma semaphore(%arg14 : memref<!tpu.dma_semaphore, #tpu.memory_space<semaphore_mem>>) src(%dma_wait3A_364 : memref<100000x128xf32, #tpu.memory_space<hbm>>) dst(%arg9 : memref<128x128xf32, #tpu.memory_space<vmem>>)
      %add3A_365 = arith.addi %add3A_329, %select_n3A : i32
      %jit3A_366 = arith.constant 50 : i32
      %eq3A_367 = arith.constant 0 : i32
      %eq3A_368 = arith.cmpi eq, %jit3A_366, %eq3A_367 : i32
      %jit3A_369 = arith.constant 1 : i32
      %select_n3A_370 = arith.select %eq3A_368, %jit3A_369, %jit3A_366 : i32
      %rem3A_371 = arith.remsi %add3A_365, %select_n3A_370 : i32
      %ne3A_372 = arith.constant 0 : i32
      %ne3A_373 = arith.cmpi ne, %rem3A_371, %ne3A_372 : i32
      %lt3A_374 = arith.constant 0 : i32
      %lt3A_375 = arith.cmpi slt, %rem3A_371, %lt3A_374 : i32
      %lt3A_376 = arith.constant 0 : i32
      %lt3A_377 = arith.cmpi slt, %select_n3A_370, %lt3A_376 : i32
      %ne3A_378 = arith.xori %lt3A_375, %lt3A_377 : i1
      %and3A_379 = arith.andi %ne3A_378, %ne3A_373 : i1
      %add3A_380 = arith.addi %rem3A_371, %select_n3A_370 : i32
      %select_n3A_381 = arith.select %and3A_379, %add3A_380, %rem3A_371 : i32
      %dma_start3A_382 = arith.constant 0 : i32
      %dma_start3A_383 = tpu.memref_slice %arg4[%select_n3A_381, %mul3A_2, %dma_start3A_382] : memref<50x4096x128xf32, #tpu.memory_space<hbm>> -> memref<1x128x128xf32, #tpu.memory_space<hbm>>
      %dma_start3A_384 = tpu.memref_squeeze %dma_start3A_383 : memref<1x128x128xf32, #tpu.memory_space<hbm>> -> memref<128x128xf32, #tpu.memory_space<hbm>>
      %dma_start3A_385 = arith.constant 0 : i32
      %dma_start3A_386 = tpu.memref_slice %arg4[%select_n3A_381, %mul3A_2, %dma_start3A_385] : memref<50x4096x128xf32, #tpu.memory_space<hbm>> -> memref<1x128x128xf32, #tpu.memory_space<hbm>>
      %dma_start3A_387 = tpu.memref_squeeze %dma_start3A_386 : memref<1x128x128xf32, #tpu.memory_space<hbm>> -> memref<128x128xf32, #tpu.memory_space<hbm>>
      tpu.enqueue_dma source(%arg9 : memref<128x128xf32, #tpu.memory_space<vmem>>) target(%dma_start3A_387 : memref<128x128xf32, #tpu.memory_space<hbm>>) target_semaphore(%arg19 : memref<!tpu.dma_semaphore, #tpu.memory_space<semaphore_mem>>)
      %mul3A_388 = arith.constant 5 : i32
      %mul3A_389 = arith.muli %scan3A_142, %mul3A_388 : i32
      %add3A_390 = arith.constant 4 : i32
      %add3A_391 = arith.addi %mul3A_389, %add3A_390 : i32
      %ge3A_392 = arith.constant 3 : i32
      %ge3A_393 = arith.cmpi sge, %add3A_391, %ge3A_392 : i32
      %convert_element_type3A_394 = arith.extui %ge3A_393 : i1 to i32
      %cond3A_395 = arith.constant 0 : i32
      %cond3A_396 = arith.cmpi ne, %convert_element_type3A_394, %cond3A_395 : i32
      scf.if %cond3A_396 {
        %sub3A_450 = arith.constant 3 : i32
        %sub3A_451 = arith.subi %add3A_391, %sub3A_450 : i32
        %add3A_452 = arith.addi %sub3A_451, %select_n3A : i32
        %jit3A_453 = arith.constant 50 : i32
        %eq3A_454 = arith.constant 0 : i32
        %eq3A_455 = arith.cmpi eq, %jit3A_453, %eq3A_454 : i32
        %jit3A_456 = arith.constant 1 : i32
        %select_n3A_457 = arith.select %eq3A_455, %jit3A_456, %jit3A_453 : i32
        %rem3A_458 = arith.remsi %add3A_452, %select_n3A_457 : i32
        %ne3A_459 = arith.constant 0 : i32
        %ne3A_460 = arith.cmpi ne, %rem3A_458, %ne3A_459 : i32
        %lt3A_461 = arith.constant 0 : i32
        %lt3A_462 = arith.cmpi slt, %rem3A_458, %lt3A_461 : i32
        %lt3A_463 = arith.constant 0 : i32
        %lt3A_464 = arith.cmpi slt, %select_n3A_457, %lt3A_463 : i32
        %ne3A_465 = arith.xori %lt3A_462, %lt3A_464 : i1
        %and3A_466 = arith.andi %ne3A_465, %ne3A_460 : i1
        %add3A_467 = arith.addi %rem3A_458, %select_n3A_457 : i32
        %select_n3A_468 = arith.select %and3A_466, %add3A_467, %rem3A_458 : i32
        %dma_wait3A_469 = arith.constant 0 : i32
        %dma_wait3A_470 = tpu.memref_slice %arg4[%select_n3A_468, %mul3A_2, %dma_wait3A_469] : memref<50x4096x128xf32, #tpu.memory_space<hbm>> -> memref<1x128x128xf32, #tpu.memory_space<hbm>>
        %dma_wait3A_471 = tpu.memref_squeeze %dma_wait3A_470 : memref<1x128x128xf32, #tpu.memory_space<hbm>> -> memref<128x128xf32, #tpu.memory_space<hbm>>
        %dma_wait3A_472 = arith.constant 0 : i32
        %dma_wait3A_473 = tpu.memref_slice %arg4[%select_n3A_468, %mul3A_2, %dma_wait3A_472] : memref<50x4096x128xf32, #tpu.memory_space<hbm>> -> memref<1x128x128xf32, #tpu.memory_space<hbm>>
        %dma_wait3A_474 = tpu.memref_squeeze %dma_wait3A_473 : memref<1x128x128xf32, #tpu.memory_space<hbm>> -> memref<128x128xf32, #tpu.memory_space<hbm>>
        tpu.wait_dma2 semaphore(%arg17 : memref<!tpu.dma_semaphore, #tpu.memory_space<semaphore_mem>>) src(%arg7 : memref<128x128xf32, #tpu.memory_space<vmem>>) dst(%dma_wait3A_474 : memref<128x128xf32, #tpu.memory_space<hbm>>)
      } else {
      }
      %add3A_397 = arith.constant 2 : i32
      %add3A_398 = arith.addi %add3A_391, %add3A_397 : i32
      %lt3A_399 = arith.constant 50 : i32
      %lt3A_400 = arith.cmpi slt, %add3A_398, %lt3A_399 : i32
      %convert_element_type3A_401 = arith.extui %lt3A_400 : i1 to i32
      %cond3A_402 = arith.constant 0 : i32
      %cond3A_403 = arith.cmpi ne, %convert_element_type3A_401, %cond3A_402 : i32
      scf.if %cond3A_403 {
        %add3A_450 = arith.constant 2 : i32
        %add3A_451 = arith.addi %add3A_391, %add3A_450 : i32
        %add3A_452 = arith.addi %add3A_451, %select_n3A : i32
        %jit3A_453 = arith.constant 50 : i32
        %eq3A_454 = arith.constant 0 : i32
        %eq3A_455 = arith.cmpi eq, %jit3A_453, %eq3A_454 : i32
        %jit3A_456 = arith.constant 1 : i32
        %select_n3A_457 = arith.select %eq3A_455, %jit3A_456, %jit3A_453 : i32
        %rem3A_458 = arith.remsi %add3A_452, %select_n3A_457 : i32
        %ne3A_459 = arith.constant 0 : i32
        %ne3A_460 = arith.cmpi ne, %rem3A_458, %ne3A_459 : i32
        %lt3A_461 = arith.constant 0 : i32
        %lt3A_462 = arith.cmpi slt, %rem3A_458, %lt3A_461 : i32
        %lt3A_463 = arith.constant 0 : i32
        %lt3A_464 = arith.cmpi slt, %select_n3A_457, %lt3A_463 : i32
        %ne3A_465 = arith.xori %lt3A_462, %lt3A_464 : i1
        %and3A_466 = arith.andi %ne3A_465, %ne3A_460 : i1
        %add3A_467 = arith.addi %rem3A_458, %select_n3A_457 : i32
        %select_n3A_468 = arith.select %and3A_466, %add3A_467, %rem3A_458 : i32
        %mul3A_469 = arith.constant 128 : i32
        %mul3A_470 = arith.muli %select_n3A_468, %mul3A_469 : i32
        %dma_start3A_471 = tpu.memref_slice %arg5[%mul3A_470] : memref<6400xi32, #tpu.memory_space<vmem>> -> memref<128xi32, #tpu.memory_space<vmem>>
        %dma_start3A_472 = arith.constant 0 : i32
        %dma_start3A_473 = arith.constant 0 : i32
        %dma_start3A_474 = tpu.memref_slice %arg3[%dma_start3A_472, %dma_start3A_473] : memref<100000x128xf32, #tpu.memory_space<hbm>> -> memref<100000x128xf32, #tpu.memory_space<hbm>>
        tpu.enqueue_indirect_dma source(%dma_start3A_474 : memref<100000x128xf32, #tpu.memory_space<hbm>>) target(%arg7 : memref<128x128xf32, #tpu.memory_space<vmem>>) offsets(%dma_start3A_471 : memref<128xi32, #tpu.memory_space<vmem>>) semaphore(%arg12 : memref<!tpu.dma_semaphore, #tpu.memory_space<semaphore_mem>>)
      } else {
      }
      %add3A_404 = arith.addi %add3A_391, %select_n3A : i32
      %jit3A_405 = arith.constant 50 : i32
      %eq3A_406 = arith.constant 0 : i32
      %eq3A_407 = arith.cmpi eq, %jit3A_405, %eq3A_406 : i32
      %jit3A_408 = arith.constant 1 : i32
      %select_n3A_409 = arith.select %eq3A_407, %jit3A_408, %jit3A_405 : i32
      %rem3A_410 = arith.remsi %add3A_404, %select_n3A_409 : i32
      %ne3A_411 = arith.constant 0 : i32
      %ne3A_412 = arith.cmpi ne, %rem3A_410, %ne3A_411 : i32
      %lt3A_413 = arith.constant 0 : i32
      %lt3A_414 = arith.cmpi slt, %rem3A_410, %lt3A_413 : i32
      %lt3A_415 = arith.constant 0 : i32
      %lt3A_416 = arith.cmpi slt, %select_n3A_409, %lt3A_415 : i32
      %ne3A_417 = arith.xori %lt3A_414, %lt3A_416 : i1
      %and3A_418 = arith.andi %ne3A_417, %ne3A_412 : i1
      %add3A_419 = arith.addi %rem3A_410, %select_n3A_409 : i32
      %select_n3A_420 = arith.select %and3A_418, %add3A_419, %rem3A_410 : i32
      %mul3A_421 = arith.constant 128 : i32
      %mul3A_422 = arith.muli %select_n3A_420, %mul3A_421 : i32
      %dma_wait3A_423 = tpu.memref_slice %arg5[%mul3A_422] : memref<6400xi32, #tpu.memory_space<vmem>> -> memref<128xi32, #tpu.memory_space<vmem>>
      %dma_wait3A_424 = arith.constant 0 : i32
      %dma_wait3A_425 = arith.constant 0 : i32
      %dma_wait3A_426 = tpu.memref_slice %arg3[%dma_wait3A_424, %dma_wait3A_425] : memref<100000x128xf32, #tpu.memory_space<hbm>> -> memref<100000x128xf32, #tpu.memory_space<hbm>>
      tpu.wait_indirect_dma semaphore(%arg15 : memref<!tpu.dma_semaphore, #tpu.memory_space<semaphore_mem>>) src(%dma_wait3A_426 : memref<100000x128xf32, #tpu.memory_space<hbm>>) dst(%arg10 : memref<128x128xf32, #tpu.memory_space<vmem>>)
      %add3A_427 = arith.addi %add3A_391, %select_n3A : i32
      %jit3A_428 = arith.constant 50 : i32
      %eq3A_429 = arith.constant 0 : i32
      %eq3A_430 = arith.cmpi eq, %jit3A_428, %eq3A_429 : i32
      %jit3A_431 = arith.constant 1 : i32
      %select_n3A_432 = arith.select %eq3A_430, %jit3A_431, %jit3A_428 : i32
      %rem3A_433 = arith.remsi %add3A_427, %select_n3A_432 : i32
      %ne3A_434 = arith.constant 0 : i32
      %ne3A_435 = arith.cmpi ne, %rem3A_433, %ne3A_434 : i32
      %lt3A_436 = arith.constant 0 : i32
      %lt3A_437 = arith.cmpi slt, %rem3A_433, %lt3A_436 : i32
      %lt3A_438 = arith.constant 0 : i32
      %lt3A_439 = arith.cmpi slt, %select_n3A_432, %lt3A_438 : i32
      %ne3A_440 = arith.xori %lt3A_437, %lt3A_439 : i1
      %and3A_441 = arith.andi %ne3A_440, %ne3A_435 : i1
      %add3A_442 = arith.addi %rem3A_433, %select_n3A_432 : i32
      %select_n3A_443 = arith.select %and3A_441, %add3A_442, %rem3A_433 : i32
      %dma_start3A_444 = arith.constant 0 : i32
      %dma_start3A_445 = tpu.memref_slice %arg4[%select_n3A_443, %mul3A_2, %dma_start3A_444] : memref<50x4096x128xf32, #tpu.memory_space<hbm>> -> memref<1x128x128xf32, #tpu.memory_space<hbm>>
      %dma_start3A_446 = tpu.memref_squeeze %dma_start3A_445 : memref<1x128x128xf32, #tpu.memory_space<hbm>> -> memref<128x128xf32, #tpu.memory_space<hbm>>
      %dma_start3A_447 = arith.constant 0 : i32
      %dma_start3A_448 = tpu.memref_slice %arg4[%select_n3A_443, %mul3A_2, %dma_start3A_447] : memref<50x4096x128xf32, #tpu.memory_space<hbm>> -> memref<1x128x128xf32, #tpu.memory_space<hbm>>
      %dma_start3A_449 = tpu.memref_squeeze %dma_start3A_448 : memref<1x128x128xf32, #tpu.memory_space<hbm>> -> memref<128x128xf32, #tpu.memory_space<hbm>>
      tpu.enqueue_dma source(%arg10 : memref<128x128xf32, #tpu.memory_space<vmem>>) target(%dma_start3A_449 : memref<128x128xf32, #tpu.memory_space<hbm>>) target_semaphore(%arg20 : memref<!tpu.dma_semaphore, #tpu.memory_space<semaphore_mem>>)
    }
    %scan3A_70 = arith.constant 10 : i32
    %add3A_71 = arith.constant 47 : i32
    %add3A_72 = arith.addi %add3A_71, %select_n3A : i32
    %jit3A_73 = arith.constant 50 : i32
    %eq3A_74 = arith.constant 0 : i32
    %eq3A_75 = arith.cmpi eq, %jit3A_73, %eq3A_74 : i32
    %jit3A_76 = arith.constant 1 : i32
    %select_n3A_77 = arith.select %eq3A_75, %jit3A_76, %jit3A_73 : i32
    %rem3A_78 = arith.remsi %add3A_72, %select_n3A_77 : i32
    %ne3A_79 = arith.constant 0 : i32
    %ne3A_80 = arith.cmpi ne, %rem3A_78, %ne3A_79 : i32
    %lt3A_81 = arith.constant 0 : i32
    %lt3A_82 = arith.cmpi slt, %rem3A_78, %lt3A_81 : i32
    %lt3A_83 = arith.constant 0 : i32
    %lt3A_84 = arith.cmpi slt, %select_n3A_77, %lt3A_83 : i32
    %ne3A_85 = arith.xori %lt3A_82, %lt3A_84 : i1
    %and3A_86 = arith.andi %ne3A_85, %ne3A_80 : i1
    %add3A_87 = arith.addi %rem3A_78, %select_n3A_77 : i32
    %select_n3A_88 = arith.select %and3A_86, %add3A_87, %rem3A_78 : i32
    %dma_wait3A = arith.constant 0 : i32
    %dma_wait3A_89 = tpu.memref_slice %arg4[%select_n3A_88, %mul3A_2, %dma_wait3A] : memref<50x4096x128xf32, #tpu.memory_space<hbm>> -> memref<1x128x128xf32, #tpu.memory_space<hbm>>
    %dma_wait3A_90 = tpu.memref_squeeze %dma_wait3A_89 : memref<1x128x128xf32, #tpu.memory_space<hbm>> -> memref<128x128xf32, #tpu.memory_space<hbm>>
    %dma_wait3A_91 = arith.constant 0 : i32
    %dma_wait3A_92 = tpu.memref_slice %arg4[%select_n3A_88, %mul3A_2, %dma_wait3A_91] : memref<50x4096x128xf32, #tpu.memory_space<hbm>> -> memref<1x128x128xf32, #tpu.memory_space<hbm>>
    %dma_wait3A_93 = tpu.memref_squeeze %dma_wait3A_92 : memref<1x128x128xf32, #tpu.memory_space<hbm>> -> memref<128x128xf32, #tpu.memory_space<hbm>>
    tpu.wait_dma2 semaphore(%arg18 : memref<!tpu.dma_semaphore, #tpu.memory_space<semaphore_mem>>) src(%arg8 : memref<128x128xf32, #tpu.memory_space<vmem>>) dst(%dma_wait3A_93 : memref<128x128xf32, #tpu.memory_space<hbm>>)
    %add3A_94 = arith.constant 48 : i32
    %add3A_95 = arith.addi %add3A_94, %select_n3A : i32
    %jit3A_96 = arith.constant 50 : i32
    %eq3A_97 = arith.constant 0 : i32
    %eq3A_98 = arith.cmpi eq, %jit3A_96, %eq3A_97 : i32
    %jit3A_99 = arith.constant 1 : i32
    %select_n3A_100 = arith.select %eq3A_98, %jit3A_99, %jit3A_96 : i32
    %rem3A_101 = arith.remsi %add3A_95, %select_n3A_100 : i32
    %ne3A_102 = arith.constant 0 : i32
    %ne3A_103 = arith.cmpi ne, %rem3A_101, %ne3A_102 : i32
    %lt3A_104 = arith.constant 0 : i32
    %lt3A_105 = arith.cmpi slt, %rem3A_101, %lt3A_104 : i32
    %lt3A_106 = arith.constant 0 : i32
    %lt3A_107 = arith.cmpi slt, %select_n3A_100, %lt3A_106 : i32
    %ne3A_108 = arith.xori %lt3A_105, %lt3A_107 : i1
    %and3A_109 = arith.andi %ne3A_108, %ne3A_103 : i1
    %add3A_110 = arith.addi %rem3A_101, %select_n3A_100 : i32
    %select_n3A_111 = arith.select %and3A_109, %add3A_110, %rem3A_101 : i32
    %dma_wait3A_112 = arith.constant 0 : i32
    %dma_wait3A_113 = tpu.memref_slice %arg4[%select_n3A_111, %mul3A_2, %dma_wait3A_112] : memref<50x4096x128xf32, #tpu.memory_space<hbm>> -> memref<1x128x128xf32, #tpu.memory_space<hbm>>
    %dma_wait3A_114 = tpu.memref_squeeze %dma_wait3A_113 : memref<1x128x128xf32, #tpu.memory_space<hbm>> -> memref<128x128xf32, #tpu.memory_space<hbm>>
    %dma_wait3A_115 = arith.constant 0 : i32
    %dma_wait3A_116 = tpu.memref_slice %arg4[%select_n3A_111, %mul3A_2, %dma_wait3A_115] : memref<50x4096x128xf32, #tpu.memory_space<hbm>> -> memref<1x128x128xf32, #tpu.memory_space<hbm>>
    %dma_wait3A_117 = tpu.memref_squeeze %dma_wait3A_116 : memref<1x128x128xf32, #tpu.memory_space<hbm>> -> memref<128x128xf32, #tpu.memory_space<hbm>>
    tpu.wait_dma2 semaphore(%arg19 : memref<!tpu.dma_semaphore, #tpu.memory_space<semaphore_mem>>) src(%arg9 : memref<128x128xf32, #tpu.memory_space<vmem>>) dst(%dma_wait3A_117 : memref<128x128xf32, #tpu.memory_space<hbm>>)
    %add3A_118 = arith.constant 49 : i32
    %add3A_119 = arith.addi %add3A_118, %select_n3A : i32
    %jit3A_120 = arith.constant 50 : i32
    %eq3A_121 = arith.constant 0 : i32
    %eq3A_122 = arith.cmpi eq, %jit3A_120, %eq3A_121 : i32
    %jit3A_123 = arith.constant 1 : i32
    %select_n3A_124 = arith.select %eq3A_122, %jit3A_123, %jit3A_120 : i32
    %rem3A_125 = arith.remsi %add3A_119, %select_n3A_124 : i32
    %ne3A_126 = arith.constant 0 : i32
    %ne3A_127 = arith.cmpi ne, %rem3A_125, %ne3A_126 : i32
    %lt3A_128 = arith.constant 0 : i32
    %lt3A_129 = arith.cmpi slt, %rem3A_125, %lt3A_128 : i32
    %lt3A_130 = arith.constant 0 : i32
    %lt3A_131 = arith.cmpi slt, %select_n3A_124, %lt3A_130 : i32
    %ne3A_132 = arith.xori %lt3A_129, %lt3A_131 : i1
    %and3A_133 = arith.andi %ne3A_132, %ne3A_127 : i1
    %add3A_134 = arith.addi %rem3A_125, %select_n3A_124 : i32
    %select_n3A_135 = arith.select %and3A_133, %add3A_134, %rem3A_125 : i32
    %dma_wait3A_136 = arith.constant 0 : i32
    %dma_wait3A_137 = tpu.memref_slice %arg4[%select_n3A_135, %mul3A_2, %dma_wait3A_136] : memref<50x4096x128xf32, #tpu.memory_space<hbm>> -> memref<1x128x128xf32, #tpu.memory_space<hbm>>
    %dma_wait3A_138 = tpu.memref_squeeze %dma_wait3A_137 : memref<1x128x128xf32, #tpu.memory_space<hbm>> -> memref<128x128xf32, #tpu.memory_space<hbm>>
    %dma_wait3A_139 = arith.constant 0 : i32
    %dma_wait3A_140 = tpu.memref_slice %arg4[%select_n3A_135, %mul3A_2, %dma_wait3A_139] : memref<50x4096x128xf32, #tpu.memory_space<hbm>> -> memref<1x128x128xf32, #tpu.memory_space<hbm>>
    %dma_wait3A_141 = tpu.memref_squeeze %dma_wait3A_140 : memref<1x128x128xf32, #tpu.memory_space<hbm>> -> memref<128x128xf32, #tpu.memory_space<hbm>>
    tpu.wait_dma2 semaphore(%arg20 : memref<!tpu.dma_semaphore, #tpu.memory_space<semaphore_mem>>) src(%arg10 : memref<128x128xf32, #tpu.memory_space<vmem>>) dst(%dma_wait3A_141 : memref<128x128xf32, #tpu.memory_space<hbm>>)
    return
  }
}

</mosaic_0001>

<sc_bundles>
// kernel: kernel.3.cloned.1.call-start
scs
__scs_entry_jumppad:
0x0: {  	(pc) =	sbr.rel $0x88, $3  }
0x1: {  	(tag) =	ssettag $0x0;
	lr =	simm.s32 $0x1  }
0x2: {  	[smem:$0x3F9F] =	sst lr;
	_ =	strace $0xD0000000  }
0x3: {  	_ = 	snop  }
0x4: {  	_ = 	snop  }
0x5: {  	_ = 	snop  }
0x6: {  	_ = 	snop  }
0x7: {  	_ = 	snop  }
__scs_overlays_trampoline_lowered:
0x8: {  	[smem:$0x3FAE] =	sst s0  }
0x9: {  	[smem:$0x3FAF] =	sst s1  }
0xa: {  	[smem:$0x3FB0] =	sst s2  }
0xb: {  	[smem:$0x3FB1] =	sst s3  }
0xc: {  	[smem:$0x3FB2] =	sst s4  }
0xd: {  	[smem:$0x3FB3] =	sst s5  }
0xe: {  	[smem:$0x3FB4] =	sst s6  }
0xf: {  	[smem:$0x3FB5] =	sst s7  }
0x10: {  	[smem:$0x3FB6] =	sst s8  }
0x11: {  	[smem:$0x3FB7] =	sst s9;
	s0 =	simm.s32 @!p0 $0x0  }
0x12: {  	s1 =	sld [smem:$0x3F9D];
	s0 =	simm.s32 @p0 $0x1  }
0x13: {  	[smem:$0x3FB8] =	sst s0;
	s0 =	simm.s32 @!p1 $0x0  }
0x14: {  	s2 =	sld [smem:$0x3F9C];
	s0 =	simm.s32 @p1 $0x1  }
0x15: {  	[smem:$0x3FB9] =	sst s0;
	s0 =	simm.s32 @!p2 $0x0  }
0x16: {  	s3 =	sld [smem:$0x3FDB];
	s0 =	simm.s32 @p2 $0x1  }
0x17: {  	s4 =	simm.s32 $0x1BF5;
	[smem:$0x3FBB] =	sst s0  }
0x18: {  	s0 =	sld [smem:$0x3F9E];
	_ =	swait.ge [sflag:s4], $0x0  }
0x19: {  	s7 =	sld [smem:$0x3F9F]  }
0x1a: {  	s8 =	sadd.s32 $0xFFFFE003, lr  }
0x1b: {  	s9 =	sadd.s32 $0xFFFFFEF7, lr;
	s5 =	simm.s32 $0xFFFFFFFF;
	p2 =	slt.u32 s8, $0xFFFFF086  }
0x1c: {  	p1 =	slt.u32 s9, $0xF7A;
	s5 =	simm.s32 @!p2 $0x0  }
0x1d: {  	s5 =	simm.s32 @p1 $0x1;
	p0 =	seq.s32 s7, s2  }
0x1e: {  	s7 =	smul.u32 @!p0 $0xF7A, s2;
	p2 =	seq.s32 @!p0 s5, $0x0  }
0x1f: {  	s9 =	smul.u32 $0xF7A, s1;
	s8 =	simm.s32 @!p0 $0x1BF5;
	p2 =	por !p2, p0  }
0x20: {  	[sflag:s8] =	ssyncset.s32 @!p0 $0xFFFFF086;
	s6 =	sadd.s32 @!p0 s3, s7;
	s7 =	simm.s32 @!p0 $0x108  }
0x21: {  	s3 =	sadd.s32 s3, s9;
	s6 =	sadd.s32 @!p0 $0x88, s6;
	s7 =	simm.s32 @p2 $0x1082  }
0x22: {  	[simem:s7], [sflag:s8] =	dma.local @!p0 [hbm:s6], $0xF7A  }
0x23: {  	s9 =	sor.u32 $0xD0000000, s2;
	s6 =	simm.s32 $0x108;
	_ =	swait.ge @!p0 [sflag:s8], $0x0  }
0x24: {  	s3 =	sadd.s32 $0x88, s3;
	s6 =	simm.s32 @!p1 $0x1082;
	[sflag:s4] =	ssyncset.s32 $0xFFFFF086  }
0x25: {  	[simem:s6], [sflag:s4] =	dma.local [hbm:s3], $0xF7A  }
0x26: {  	[smem:$0x3F9F] =	sst s1;
	(tag) =	ssettag s2;
	_ =	strace s9  }
0x27: {  	s1 =	sld [smem:$0x3FAF]  }
0x28: {  	s2 =	sld [smem:$0x3FB0]  }
0x29: {  	s4 =	sld [smem:$0x3FB2]  }
0x2a: {  	p0 =	seq.s32 s5, $0x0;
	s5 =	sld [smem:$0x3FB3]  }
0x2b: {  	s6 =	sld [smem:$0x3FB4]  }
0x2c: {  	s7 =	sld [smem:$0x3FB5]  }
0x2d: {  	s3 =	simm.s32 $0x108;
	s8 =	sld [smem:$0x3FB6]  }
0x2e: {  	s3 =	simm.s32 @!p0 $0x1082;
	s9 =	sld [smem:$0x3FB7]  }
0x2f: {  	lr =	sadd.s32 s0, s3;
	s0 =	sld [smem:$0x3FAE]  }
0x30: {  	s3 =	sld [smem:$0x3FB1]  }
0x31: {  	[smem:$0x3FBA] =	sst s10  }
0x32: {  	s10 =	sld [smem:$0x3FB8];
	_ =	sdelay $0x3  }
0x33: {  	p0 =	seq.s32 s10, $0x1;
	s10 =	sld [smem:$0x3FBA];
	_ =	sdelay $0x3  }
0x34: {  	[smem:$0x3FBA] =	sst s10  }
0x35: {  	s10 =	sld [smem:$0x3FB9];
	_ =	sdelay $0x3  }
0x36: {  	p1 =	seq.s32 s10, $0x1;
	s10 =	sld [smem:$0x3FBA];
	_ =	sdelay $0x3  }
0x37: {  	[smem:$0x3FBA] =	sst s10  }
0x38: {  	s10 =	sld [smem:$0x3FBB]  }
0x39: {  	_ = 	snop;
	(pc) =	sbr.ind lr, $3  }
0x3a: {  	_ = 	snop  }
0x3b: {  	_ = 	snop  }
0x3c: {  	p2 =	seq.s32 s10, $0x1;
	s10 =	sld [smem:$0x3FBA]  }
0x3d: {  	_ =	shalt  }
0x3e: {  	_ =	shalt  }
0x3f: {  	_ =	shalt  }
0x40: {  	_ =	shalt  }
0x41: {  	_ =	shalt  }
0x42: {  	_ =	shalt  }
0x43: {  	_ =	shalt  }
0x44: {  	_ =	shalt  }
0x45: {  	_ =	shalt  }
0x46: {  	_ =	shalt  }
0x47: {  	_ =	shalt  }
0x48: {  	_ =	shalt  }
0x49: {  	_ =	shalt  }
0x4a: {  	_ =	shalt  }
0x4b: {  	_ =	shalt  }
0x4c: {  	_ =	shalt  }
0x4d: {  	_ =	shalt  }
0x4e: {  	_ =	shalt  }
0x4f: {  	_ =	shalt  }
0x50: {  	_ =	shalt  }
0x51: {  	_ =	shalt  }
0x52: {  	_ =	shalt  }
0x53: {  	_ =	shalt  }
0x54: {  	_ =	shalt  }
0x55: {  	_ =	shalt  }
0x56: {  	_ =	shalt  }
0x57: {  	_ =	shalt  }
0x58: {  	_ =	shalt  }
0x59: {  	_ =	shalt  }
0x5a: {  	_ =	shalt  }
0x5b: {  	_ =	shalt  }
0x5c: {  	_ =	shalt  }
0x5d: {  	_ =	shalt  }
0x5e: {  	_ =	shalt  }
0x5f: {  	_ =	shalt  }
0x60: {  	_ =	shalt  }
0x61: {  	_ =	shalt  }
0x62: {  	_ =	shalt  }
0x63: {  	_ =	shalt  }
0x64: {  	_ =	shalt  }
0x65: {  	_ =	shalt  }
0x66: {  	_ =	shalt  }
0x67: {  	_ =	shalt  }
0x68: {  	_ =	shalt  }
0x69: {  	_ =	shalt  }
0x6a: {  	_ =	shalt  }
0x6b: {  	_ =	shalt  }
0x6c: {  	_ =	shalt  }
0x6d: {  	_ =	shalt  }
0x6e: {  	_ =	shalt  }
0x6f: {  	_ =	shalt  }
0x70: {  	_ =	shalt  }
0x71: {  	_ =	shalt  }
0x72: {  	_ =	shalt  }
0x73: {  	_ =	shalt  }
0x74: {  	_ =	shalt  }
0x75: {  	_ =	shalt  }
0x76: {  	_ =	shalt  }
0x77: {  	_ =	shalt  }
0x78: {  	_ =	shalt  }
0x79: {  	_ =	shalt  }
0x7a: {  	_ =	shalt  }
0x7b: {  	_ =	shalt  }
0x7c: {  	_ =	shalt  }
0x7d: {  	_ =	shalt  }
0x7e: {  	_ =	shalt  }
0x7f: {  	_ =	shalt  }
0x80: {  	_ =	shalt  }
0x81: {  	_ =	shalt  }
0x82: {  	_ =	shalt  }
0x83: {  	_ =	shalt  }
0x84: {  	_ =	shalt  }
0x85: {  	_ =	shalt  }
0x86: {  	_ =	shalt  }
0x87: {  	_ =	shalt  }
.Lfunc_end0:
.L_simem_size_0:
called_computation_lowered:
.L_overlay_start_0:
0x88: {  	s2 =	sld [smem:$0x3FD9]  }
0x89: {  	s3 =	sld [smem:$0x3FFE];
	_ =	sdelay $0x1  }
0x8a: {  	s1 =	srdreg.scid  }
0x8b: {  	s0 =	sand.u32 $0x1, s1  }
0x8c: {  	s17 =	sshll.u32 s0, $0xA;
	s2 =	sadd.s32 s3, s2  }
0x8d: {  	s2 =	sadd.s32 s2, s17  }
0x8e: {  	[smem:$0x3FC6] =	sst s2  }
0x8f: {  	_ = 	snop  }
0x90: {  	s2 =	sld [smem:$0x3FC8]  }
0x91: {  	s18 =	sld [smem:$0x3FD0];
	(tm) =	ssettm $0x1  }
0x92: {  	s4 =	sld [smem:$0x3FFB];
	_ =	sdelay $0x3  }
0x93: {  	_ =	strace s4  }
0x94: {  	s4 =	sld [smem:$0x3FFC];
	_ =	sdelay $0x3  }
0x95: {  	_ =	strace s4  }
0x96: {  	s4 =	sld [smem:$0x3FFD];
	_ =	sdelay $0x3  }
0x97: {  	_ =	strace s4  }
0x98: {  	_ =	strace $0x8FFFFFFF  }
0x99: {  	s19 =	sld [smem:$0x3FDB];
	_ =	sdelay $0x1  }
0x9a: {  	s5 =	simm.s32 $_scs_section_size  }
0x9b: {  	s6 =	simm.s32 $_size__tile_overlayer_lowered;
	s7 =	simm.s32 $_tile_overlayer_lowered  }
0x9c: {  	s22 =	simm.s32 $0x1BFF;
	s21 =	sshll.u32 s7, $0x1;
	s4 =	sadd.s32 s5, s19  }
0x9d: {  	s8 =	simm.s32 $0x0;
	s20 =	sshll.u32 s6, $0x1;
	s6 =	sadd.s32 s21, s4  }
0x9e: {  	[timem:s8], [sflag:s22] =	dma.local [hbm:s6], s20  }
0x9f: {  	_ =	swait.ge [sflag:s22], s20  }
0xa0: {  	s5 =	ssub.s32 $0x0, s20;
	[sflag:s22] =	ssyncset.done $0x0  }
0xa1: {  	[sflag:s22] =	ssyncadd.s32 s5;
	_ =	sdelay $0x1  }
0xa2: {  	s23 =	simm.s32 $0x1B8B  }
0xa3: {  	_ =	swait.ge [sflag:s23], $0x1  }
0xa4: {  	[sflag:s23] =	ssyncset.done $0x0  }
0xa5: {  	s25 =	simm.s32 $0x1B8E;
	s24 =	sld [smem:$0x3FFE];
	[sflag:s23] =	ssyncadd.s32 $0xFFFFFFFF  }
0xa6: {  	s26 =	simm.s32 $execute0_lowered;
	[smem:$0x3FD2] =	sst s25  }
0xa7: {  	s6 =	sshll.u32 s26, $0x1;
	_ =	strace $0x80000046;
	[dreg:$0x1] =	wrdreg $0xFFFFFFFF  }
0xa8: {  	s28 =	simm.s32 $_size_execute0_lowered;
	s4 =	sadd.s32 s4, s6;
	[dreg:$0x0] =	wrdreg $0x0  }
0xa9: {  	s6 =	sshll.u32 s28, $0x1;
	[dreg:$0x2] =	wrdreg s4  }
0xaa: {  	[dreg:$0x3] =	wrdreg s6  }
0xab: {  	[dreg:$0x4] =	wrdreg $0xC0  }
0xac: {  	_ =	task [dreg:s8], $0x5FFFF  }
0xad: {  	[dreg:$0x1] =	wrdreg $0xFFFFFFFF  }
0xae: {  	[dreg:$0x0] =	wrdreg $0x60  }
0xaf: {  	[dreg:$0x2] =	wrdreg s24  }
0xb0: {  	[dreg:$0x3] =	wrdreg s2  }
0xb1: {  	[dreg:$0x4] =	wrdreg s18  }
0xb2: {  	[dreg:$0x5] =	wrdreg $0x9  }
0xb3: {  	_ =	task.clear_ibuf [dreg:s8], $0x6FFFF;
	_ =	strace $0x90000046  }
0xb4: {  	s29 =	simm.s32 $0x9;
	_ =	strace $0x80000048  }
0xb5: {  	_ =	swait.ge [sflag:s29], $0x1  }
0xb6: {  	[sflag:s29] =	ssyncadd.s32 $0xFFFFFFFF  }
0xb7: {  	_ =	strace $0x90000048  }
0xb8: {  	_ =	sfence  }
0xb9: {  	s30 =	sld [smem:$0x0];
	_ =	sdelay $0x2  }
0xba: {  	s31 =	sshll.u32 s1, $0xD;
	s1 =	sshrl.u32 s1, $0x2  }
0xbb: {  	s3 =	sand.u32 $0x4000, s31;
	s1 =	sadd.s32 s1, s30  }
0xbc: {  	s0 =	sor.u32 s3, s0;
	s1 =	sshll.u32 s1, $0x11  }
0xbd: {  	s0 =	sor.u32 s1, s0  }
0xbe: {  	s0 =	sadd.s32 $0x8F2B, s0  }
0xbf: {  	[sflag:s0] =	ssyncadd.remote.s32 $0x1  }
0xc0: {  	_ =	sfence.sel $0xFFFF  }
0xc1: {  	[dreg:$0x0] =	wrdreg $0xFFFFFFFF;
	(pc) =	sbr.abs _section_cstart, $3  }
0xc2: {  	[dreg:$0x1] =	wrdreg $0xFFFFFFFF  }
0xc3: {  	_ =	task.clear_ibuf [dreg:s8], $0x2FFFF;
	_ =	strace $0x9FFFFFFF  }
0xc4: {  	(tm) =	ssettm $0x7FFFFFFF  }
0xc5: {  	_ =	shalt  }
tec
execute0_lowered:
.L_overlay_start_1:
0x0: {  	(tag) =	ssettag $0x1  }
0x1: {  	s0 =	rddreg [dreg:$0x0];
	s1 =	srdreg.scid  }
0x2: {  	s10 =	stileid.u32;
	s3 =	rddreg [dreg:$0x1]  }
0x3: {  	s2 =	simm.s32 $0x0;
	s28 =	simm.s32 $0x11900;
	s29 =	simm.s32 $0x3  }
0x4: {  	s30 =	simm.s32 $0x6;
	s13 =	sshrl.u32 s10, $0x2;
	s14 =	smul.u32 $0x64, s10  }
0x5: {  	s1 =	sand.u32 $0x1, s1;
	s4 =	sshll.u32 s10, $0x1;
	s6 =	smul.u32 $0xC800, s13  }
0x6: {  	[smem:$0x7FF] =	sst s2;
	s5 =	sor.u32 s1, s4;
	s9 =	smul.u32 $0x32, s1  }
0x7: {  	s21 =	sshll.u32 s10, $0xF;
	s7 =	sshll.u32 s5, $0x7;
	s5 =	smul.u32 $0xC8, s5  }
0x8: {  	s8 =	ssub.s32 $0x2, s1;
	_ =	strace $0x80000047;
	s1 =	sshll.u32 s1, $0xE  }
0x9: {  	s7 =	sand.u32 $0x380, s7;
	s17 =	sadd.s32 s9, s14;
	s16 =	sand.u32 $0x1F80, s5  }
0xa: {  	s6 =	sor.u32 s6, s7;
	s7 =	sshrl.u32 s17, $0x5;
	[dreg:$0x4] =	wrdreg s16  }
0xb: {  	s15 =	sshrl.u32 s8, $0x1;
	s18 =	sadd.s32 $0x80, s16;
	[dreg:$0x7] =	wrdreg s7  }
0xc: {  	s14 =	simm.s32 $0x9900;
	s22 =	sadd.s32 $0x6, s7;
	[dreg:$0x6] =	wrdreg s18  }
0xd: {  	s6 =	sshrl.u32 s6, $0x3;
	s23 =	sadd.s32 $0x5, s7;
	[dreg:$0x9] =	wrdreg s22  }
0xe: {  	s20 =	sshll.u32 s7, $0x13;
	s24 =	sadd.s32 $0x4, s7;
	[dreg:$0xa] =	wrdreg s23  }
0xf: {  	s11 =	sshll.u32 s7, $0x7;
	s25 =	sadd.s32 $0x1, s7;
	[dreg:$0xc] =	wrdreg s24  }
0x10: {  	s26 =	sadd.s32 $0x3, s7;
	s31 =	sadd.s32 $0x2, s7;
	[dreg:$0xd] =	wrdreg s25  }
0x11: {  	s7 =	simm.s32 $0x80;
	s16 =	simm.s32 $0x1900;
	[dreg:$0xe] =	wrdreg s26  }
0x12: {  	s0 =	sadd.s32 s6, s0;
	s6 =	ssub.s32 s8, s15;
	[dreg:$0xf] =	wrdreg s31  }
0x13: {  	s23 =	simm.s32 $0x5900;
	s18 =	simm.s32 $0x1;
	s0 =	sadd.s32 $0x400, s0  }
0x14: {  	s25 =	simm.s32 $0xD900;
	[dreg:$0x5] =	wrdreg s0;
	s0 =	sor.u32 s21, s20  }
0x15: {  	s26 =	simm.s32 $0x2;
	s19 =	smax.u32 s6, $0x1;
	s0 =	sor.u32 s1, s0  }
0x16: {  	s6 =	simm.s32 $0x0;
	[dreg:$0x8] =	wrdreg s19;
	s0 =	sadd.s32 $0x200000, s0  }
0x17: {  	s1 =	simm.s32 $0x4;
	[dreg:$0xb] =	wrdreg s0;
	s0 =	simm.s32 $0x7  }
.LBB2_1:
0x18: {  	[dreg:$0x10] =	wrdreg s6  }
0x19: {  	s5 =	rddreg [dreg:$0x5]  }
0x1a: {  	s17 =	simm.s32 $0x400;
	s31 =	simm.s32 $0x0;
	s19 =	simm.s32 $0xB  }
0x1b: {  	[tilespmem:s31], [sflag:$0xB] =	stream.strided.gather [hbm4b:s5+s7], $0x1900, s17, s7, $0x38;
	[tilespmem:$0x15900] =	vst v63  }
0x1c: {  	_ =	swait.ge [sflag:s19], $0x1900  }
0x1d: {  	s2 =	simm.s32 $0x80;
	s20 =	rddreg [dreg:$0x4]  }
0x1e: {  	p0 =	por $0x1, $0x1;
	[sflag:s19] =	ssyncset.done $0x0;
	s9 =	rddreg [dreg:$0x7]  }
0x1f: {  	s13 =	rddreg [dreg:$0x9];
	[sflag:s19] =	ssyncadd.s32 $0xFFFFE700;
	s10 =	smulhi.u32 $0x51EB851F, s9  }
0x20: {  	[tilespmem:s16], [sflag:$0x1] =	stream.indirect.gather [hbm4b:s3+s7], $0x80, s20, s7, $0xb8;
	[tilespmem:$0x15900] =	vst v63  }
0x21: {  	p1 =	por $0x0, $0x0;
	s4 =	smulhi.u32 $0x51EB851F, s13;
	s20 =	rddreg [dreg:$0xf]  }
0x22: {  	s22 =	rddreg [dreg:$0x6];
	s21 =	smulhi.u32 $0x51EB851F, s20;
	s10 =	sshrl.u32 s10, $0x4  }
0x23: {  	[tilespmem:s23], [sflag:$0x2] =	stream.indirect.gather [hbm4b:s3+s7], $0x80, s22, s7, $0xb8;
	[tilespmem:$0x15900] =	vst v63  }
0x24: {  	s12 =	simm.s32 @!p0 $0x8;
	s10 =	smul.u32 $0xFE700000, s10;
	s8 =	sshrl.u32 s21, $0x4  }
0x25: {  	s6 =	sshrl.u32 s4, $0x4;
	s20 =	sadd.s32 $0x5, s20;
	s5 =	smul.u32 $0x6400, s8  }
0x26: {  	s22 =	rddreg [dreg:$0xe];
	s6 =	smul.u32 $0x6400, s6;
	_ =	swait.ge @!p0 [sflag:s12], $0x4000  }
0x27: {  	s24 =	smulhi.u32 $0x51EB851F, s22;
	[sflag:s12] =	ssyncset.done @!p0 $0x0;
	s5 =	ssub.s32 $0x400, s5  }
0x28: {  	s8 =	smul.u32 $0xFE700000, s8;
	s6 =	ssub.s32 $0xC00, s6;
	s5 =	sadd.s32 $0x0, s5  }
0x29: {  	[sflag:s12] =	ssyncadd.s32 @!p0 $0xFFFFC000;
	s6 =	sadd.s32 @!p1 $0x0, s6;
	s5 =	sshra.s32 s5, $0x2  }
0x2a: {  	s7 =	sshrl.u32 s24, $0x4;
	s6 =	sshra.s32 @!p1 s6, $0x2;
	s5 =	sadd.s32 s5, s11  }
0x2b: {  	[tilespmem:s14], [sflag:$0x3] =	stream.indirect.gather [hbm4b:s3+s2], $0x80, s5, s2, $0xb8;
	[tilespmem:$0x15900] =	vst v63  }
0x2c: {  	s24 =	simm.s32 $0x9900;
	s6 =	sadd.s32 @!p1 s6, s11;
	_ =	swait.ge [sflag:s18], $0x4000  }
0x2d: {  	s5 =	simm.s32 $0xA00;
	s14 =	smul.u32 $0x6400, s7;
	s17 =	rddreg [dreg:$0xb]  }
0x2e: {  	[sflag:s18] =	ssyncset.done $0x0;
	s19 =	rddreg [dreg:$0xd];
	s10 =	sadd.s32 s10, s17  }
0x2f: {  	s9 =	rddreg [dreg:$0xa];
	[sflag:s18] =	ssyncadd.s32 $0xFFFFC000;
	s10 =	sadd.s32 $0xFFE00000, s10  }
0x30: {  	s7 =	smul.u32 $0xFE700000, s7;
	s4 =	rddreg [dreg:$0x2];
	s10 =	sshrl.u32 s10, $0x3  }
0x31: {  	s12 =	ssub.s32 $0x600, s14;
	s21 =	smulhi.u32 $0x51EB851F, s19;
	s10 =	sadd.s32 s4, s10  }
0x32: {  	[hbm4b:s10+s31] =	stream.linear.scatter [tilespmem:s16], [sflag:$0x6], $0x4000, $0x38;
	[tilespmem:$0x15900] =	vst v63  }
0x33: {  	s15 =	smulhi.u32 $0x51EB851F, s9;
	s12 =	sadd.s32 $0x0, s12;
	s10 =	simm.s32 @!p0 $0x9  }
0x34: {  	s12 =	sshra.s32 s12, $0x2;
	s14 =	sshrl.u32 s21, $0x4;
	_ =	swait.ge @!p0 [sflag:s10], $0x4000  }
0x35: {  	s14 =	smul.u32 $0xFE700000, s14;
	s21 =	rddreg [dreg:$0xc];
	[sflag:s10] =	ssyncset.done @!p0 $0x0  }
0x36: {  	s12 =	sadd.s32 s12, s11;
	s18 =	smulhi.u32 $0x51EB851F, s21;
	[sflag:s10] =	ssyncadd.s32 @!p0 $0xFFFFC000  }
0x37: {  	[tilespmem:s25], [sflag:$0x4] =	stream.indirect.gather [hbm4b:s3+s2], $0x80, s12, s2, $0xb8;
	[tilespmem:$0x15900] =	vst v63  }
0x38: {  	s8 =	sadd.s32 s8, s17;
	s14 =	sadd.s32 s14, s17;
	s10 =	sshrl.u32 s18, $0x4  }
0x39: {  	s14 =	sadd.s32 $0xFFE80000, s14;
	_ =	swait.ge [sflag:s26], $0x4000;
	s18 =	smul.u32 $0x6400, s10  }
0x3a: {  	s16 =	simm.s32 @!p0 $0xA;
	s14 =	sshrl.u32 s14, $0x3;
	[sflag:s26] =	ssyncset.done $0x0  }
0x3b: {  	s14 =	sadd.s32 s4, s14;
	[sflag:s26] =	ssyncadd.s32 $0xFFFFC000;
	s12 =	ssub.s32 $0x800, s18  }
0x3c: {  	[hbm4b:s14+s31] =	stream.linear.scatter [tilespmem:s23], [sflag:$0x7], $0x4000, $0x38;
	[tilespmem:$0x15900] =	vst v63  }
0x3d: {  	s7 =	sadd.s32 s7, s17;
	_ =	swait.ge @!p0 [sflag:s16], $0x4000;
	s12 =	sadd.s32 $0x0, s12  }
0x3e: {  	s8 =	sadd.s32 $0xFFF00000, s8;
	[sflag:s16] =	ssyncset.done @!p0 $0x0;
	s12 =	sshra.s32 s12, $0x2  }
0x3f: {  	s18 =	sshrl.u32 s15, $0x4;
	[sflag:s16] =	ssyncadd.s32 @!p0 $0xFFFFC000;
	s12 =	sadd.s32 s12, s11  }
0x40: {  	[tilespmem:s28], [sflag:$0x5] =	stream.indirect.gather [hbm4b:s3+s2], $0x80, s12, s2, $0xb8;
	[tilespmem:$0x15900] =	vst v63  }
0x41: {  	s7 =	sadd.s32 $0xFFF80000, s7;
	s23 =	smul.u32 $0x6400, s18;
	_ =	swait.ge [sflag:s29], $0x4000  }
0x42: {  	s8 =	sshrl.u32 s8, $0x3;
	s7 =	sshrl.u32 s7, $0x3;
	[sflag:s29] =	ssyncset.done $0x0  }
0x43: {  	s8 =	sadd.s32 s4, s8;
	s12 =	ssub.s32 $0xA00, s23;
	[sflag:s29] =	ssyncadd.s32 $0xFFFFC000  }
0x44: {  	[hbm4b:s8+s31] =	stream.linear.scatter [tilespmem:s24], [sflag:$0x8], $0x4000, $0x38;
	[tilespmem:$0x15900] =	vst v63  }
0x45: {  	s26 =	smul.u32 $0xFE700000, s10;
	s8 =	sadd.s32 @!p1 $0x0, s12;
	_ =	swait.ge [sflag:s30], $0x4000  }
0x46: {  	s14 =	simm.s32 @!p1 $0x80;
	s8 =	sshra.s32 @!p1 s8, $0x2;
	[sflag:s30] =	ssyncset.done $0x0  }
0x47: {  	s12 =	simm.s32 @!p1 $0x1900;
	s8 =	sadd.s32 @!p1 s8, s11;
	[sflag:s30] =	ssyncadd.s32 $0xFFFFC000  }
0x48: {  	[tilespmem:s12], [sflag:$0x1] =	stream.indirect.gather @!p1 [hbm4b:s3+s14], $0x80, s8, s14, $0xb8;
	[tilespmem:$0x15900] =	vst v63  }
0x49: {  	s7 =	sadd.s32 s4, s7;
	s28 =	sadd.s32 s26, s17;
	_ =	swait.ge [sflag:s1], $0x4000  }
0x4a: {  	s10 =	sadd.s32 $0x5, s13;
	s15 =	sshrl.u32 s28, $0x3;
	[sflag:s1] =	ssyncset.done $0x0  }
0x4b: {  	s29 =	simm.s32 $0x2;
	s30 =	simm.s32 $0x3;
	[sflag:s1] =	ssyncadd.s32 $0xFFFFC000  }
0x4c: {  	[hbm4b:s7+s31] =	stream.linear.scatter [tilespmem:s25], [sflag:$0x9], $0x4000, $0x38;
	[tilespmem:$0x15900] =	vst v63  }
0x4d: {  	s8 =	sadd.s32 $0x5, s19;
	s19 =	sadd.s32 $0x280000, s17;
	_ =	swait.ge [sflag:s0], $0x4000  }
0x4e: {  	s12 =	smov.u32 s9;
	s7 =	simm.s32 @!p1 $0x5900;
	[sflag:s0] =	ssyncset.done $0x0  }
0x4f: {  	s31 =	simm.s32 $0x6;
	[sflag:s0] =	ssyncadd.s32 $0xFFFFC000;
	s0 =	simm.s32 $0x7  }
0x50: {  	[tilespmem:s7], [sflag:$0x2] =	stream.indirect.gather @!p1 [hbm4b:s3+s14], $0x80, s6, s14, $0xb8;
	[tilespmem:$0x15900] =	vst v63  }
0x51: {  	s6 =	sadd.s32 $0x5, s21;
	s7 =	sadd.s32 $0x5, s9;
	s14 =	sadd.s32 $0x5, s22  }
.LBB2_2:
0x52: {  	s13 =	smulhi.u32 $0x51EB851F, s14  }
0x53: {  	s9 =	smulhi.u32 $0x51EB851F, s12  }
0x54: {  	s18 =	simm.s32 $0x5;
	s17 =	smulhi.u32 $0x51EB851F, s10  }
0x55: {  	s16 =	smov.u32 s5;
	s5 =	sadd.s32 $0xA00, s5;
	s24 =	smulhi.u32 $0x51EB851F, s20  }
0x56: {  	s1 =	simm.s32 $0x0;
	s21 =	smulhi.u32 $0x51EB851F, s7;
	s28 =	simm.s32 $0xD900  }
0x57: {  	s2 =	simm.s32 $0x80;
	s12 =	sadd.s32 $0x5, s12;
	s20 =	sadd.s32 $0x5, s20  }
0x58: {  	s7 =	sadd.s32 $0x5, s7;
	s10 =	sadd.s32 $0x5, s10;
	_ =	swait.ge [sflag:s18], $0x4000  }
0x59: {  	s14 =	sadd.s32 $0x5, s14;
	[sflag:s18] =	ssyncset.done $0x0;
	s23 =	sshrl.u32 s17, $0x4  }
0x5a: {  	s9 =	sshrl.u32 s9, $0x4;
	s4 =	rddreg [dreg:$0x2];
	[sflag:s18] =	ssyncadd.s32 $0xFFFFC000  }
0x5b: {  	s18 =	simm.s32 $0x11900;
	s9 =	smul.u32 $0xFE700000, s9;
	s15 =	sadd.s32 s4, s15  }
0x5c: {  	[hbm4b:s15+s1] =	stream.linear.scatter [tilespmem:s18], [sflag:$0xA], $0x4000, $0x38;
	[tilespmem:$0x15900] =	vst v63  }
0x5d: {  	p1 =	seq.s32 s16, $0x5A00;
	s22 =	sshrl.u32 s24, $0x4;
	s15 =	smul.u32 $0x6400, s23  }
0x5e: {  	p2 =	seq.s32 s16, $0x0;
	s21 =	sshrl.u32 s21, $0x4;
	s23 =	smul.u32 $0x6400, s22  }
0x5f: {  	s24 =	simm.s32 $0x9900;
	s13 =	sshrl.u32 s13, $0x4;
	s9 =	sadd.s32 s9, s19  }
0x60: {  	s15 =	ssub.s32 $0xC00, s15;
	s25 =	ssub.s32 $0x400, s23;
	s23 =	simm.s32 @!p2 $0x8  }
0x61: {  	s17 =	sadd.s32 @!p1 s15, s16;
	_ =	swait.ge @!p2 [sflag:s23], $0x4000;
	s15 =	sadd.s32 s25, s16  }
0x62: {  	[sflag:s23] =	ssyncset.done @!p2 $0x0;
	s25 =	sshra.s32 s15, $0x2;
	s15 =	smul.u32 $0x6400, s21  }
0x63: {  	s21 =	simm.s32 $0x1;
	[sflag:s23] =	ssyncadd.s32 @!p2 $0xFFFFC000;
	s26 =	sadd.s32 s25, s11  }
0x64: {  	[tilespmem:s24], [sflag:$0x3] =	stream.indirect.gather [hbm4b:s3+s2], $0x80, s26, s2, $0xb8;
	[tilespmem:$0x15900] =	vst v63  }
0x65: {  	s9 =	sadd.s32 $0xFFE00000, s9;
	s23 =	smul.u32 $0x6400, s13;
	_ =	swait.ge [sflag:s21], $0x4000  }
0x66: {  	s9 =	sshrl.u32 s9, $0x3;
	s26 =	smulhi.u32 $0x51EB851F, s8;
	[sflag:s21] =	ssyncset.done $0x0  }
0x67: {  	s22 =	smul.u32 $0xFE700000, s22;
	s9 =	sadd.s32 s4, s9;
	[sflag:s21] =	ssyncadd.s32 $0xFFFFC000  }
0x68: {  	s21 =	ssub.s32 $0x600, s23;
	s23 =	sshrl.u32 s26, $0x4;
	s26 =	simm.s32 $0x1900  }
0x69: {  	[hbm4b:s9+s1] =	stream.linear.scatter [tilespmem:s26], [sflag:$0x6], $0x4000, $0x38;
	[tilespmem:$0x15900] =	vst v63  }
0x6a: {  	s25 =	simm.s32 @!p2 $0x9;
	s21 =	sadd.s32 s21, s16;
	s23 =	smul.u32 $0xFE700000, s23  }
0x6b: {  	s26 =	smulhi.u32 $0x51EB851F, s6;
	_ =	swait.ge @!p2 [sflag:s25], $0x4000;
	s21 =	sshra.s32 s21, $0x2  }
0x6c: {  	[sflag:s25] =	ssyncset.done @!p2 $0x0;
	s21 =	sadd.s32 s21, s11;
	s9 =	sadd.s32 s23, s19  }
0x6d: {  	s23 =	sshrl.u32 s26, $0x4;
	[sflag:s25] =	ssyncadd.s32 @!p2 $0xFFFFC000;
	s9 =	sadd.s32 $0xFFE80000, s9  }
0x6e: {  	[tilespmem:s28], [sflag:$0x4] =	stream.indirect.gather [hbm4b:s3+s2], $0x80, s21, s2, $0xb8;
	[tilespmem:$0x15900] =	vst v63  }
0x6f: {  	s26 =	smul.u32 $0x6400, s23;
	s9 =	sshrl.u32 s9, $0x3;
	_ =	swait.ge [sflag:s29], $0x4000  }
0x70: {  	s25 =	simm.s32 @!p2 $0xA;
	s9 =	sadd.s32 s4, s9;
	[sflag:s29] =	ssyncset.done $0x0  }
0x71: {  	s21 =	ssub.s32 $0x800, s26;
	s26 =	simm.s32 $0x5900;
	[sflag:s29] =	ssyncadd.s32 $0xFFFFC000  }
0x72: {  	[hbm4b:s9+s1] =	stream.linear.scatter [tilespmem:s26], [sflag:$0x7], $0x4000, $0x38;
	[tilespmem:$0x15900] =	vst v63  }
0x73: {  	s22 =	sadd.s32 s22, s19;
	s26 =	sadd.s32 s21, s16;
	_ =	swait.ge @!p2 [sflag:s25], $0x4000  }
0x74: {  	s22 =	sadd.s32 $0xFFF00000, s22;
	s9 =	sshra.s32 s26, $0x2;
	[sflag:s25] =	ssyncset.done @!p2 $0x0  }
0x75: {  	s13 =	smul.u32 $0xFE700000, s13;
	s9 =	sadd.s32 s9, s11;
	[sflag:s25] =	ssyncadd.s32 @!p2 $0xFFFFC000  }
0x76: {  	[tilespmem:s18], [sflag:$0x5] =	stream.indirect.gather [hbm4b:s3+s2], $0x80, s9, s2, $0xb8;
	[tilespmem:$0x15900] =	vst v63  }
0x77: {  	s22 =	sshrl.u32 s22, $0x3;
	s13 =	sadd.s32 s13, s19;
	_ =	swait.ge [sflag:s30], $0x4000  }
0x78: {  	s21 =	smul.u32 $0xFE700000, s23;
	s23 =	sadd.s32 s4, s22;
	[sflag:s30] =	ssyncset.done $0x0  }
0x79: {  	s26 =	simm.s32 $0x4;
	s9 =	ssub.s32 $0xA00, s15;
	[sflag:s30] =	ssyncadd.s32 $0xFFFFC000  }
0x7a: {  	[hbm4b:s23+s1] =	stream.linear.scatter [tilespmem:s24], [sflag:$0x8], $0x4000, $0x38;
	[tilespmem:$0x15900] =	vst v63  }
0x7b: {  	s15 =	sadd.s32 s21, s19;
	s9 =	sadd.s32 @!p1 s9, s16;
	_ =	swait.ge [sflag:s31], $0x4000  }
0x7c: {  	s21 =	simm.s32 @!p1 $0x80;
	s9 =	sshra.s32 @!p1 s9, $0x2;
	[sflag:s31] =	ssyncset.done $0x0  }
0x7d: {  	s16 =	simm.s32 @!p1 $0x1900;
	s9 =	sadd.s32 @!p1 s9, s11;
	[sflag:s31] =	ssyncadd.s32 $0xFFFFC000  }
0x7e: {  	[tilespmem:s16], [sflag:$0x1] =	stream.indirect.gather @!p1 [hbm4b:s3+s21], $0x80, s9, s21, $0xb8;
	[tilespmem:$0x15900] =	vst v63  }
0x7f: {  	p0 =	sne.s32 s5, $0x6400;
	s13 =	sadd.s32 $0xFFF80000, s13;
	_ =	swait.ge [sflag:s26], $0x4000  }
0x80: {  	s17 =	sshra.s32 @!p1 s17, $0x2;
	s13 =	sshrl.u32 s13, $0x3;
	[sflag:s26] =	ssyncset.done $0x0  }
0x81: {  	s13 =	sadd.s32 s4, s13;
	s25 =	simm.s32 $0xD900;
	[sflag:s26] =	ssyncadd.s32 $0xFFFFC000  }
0x82: {  	[hbm4b:s13+s1] =	stream.linear.scatter [tilespmem:s25], [sflag:$0x9], $0x4000, $0x38;
	[tilespmem:$0x15900] =	vst v63  }
.Ltmp0:
0x83: {  	s8 =	sadd.s32 $0x5, s8;
	s6 =	sadd.s32 $0x5, s6;
	(pc) =	sbr.rel @p0 .LBB2_2-.Ltmp0, $4  }
0x84: {  	s28 =	simm.s32 $0x11900;
	s2 =	simm.s32 $0x0;
	_ =	swait.ge [sflag:s0], $0x4000  }
0x85: {  	s19 =	sadd.s32 $0x280000, s19;
	s15 =	sshrl.u32 s15, $0x3;
	[sflag:s0] =	ssyncset.done $0x0  }
0x86: {  	s9 =	sadd.s32 @!p1 s17, s11;
	s13 =	simm.s32 @!p1 $0x5900;
	[sflag:s0] =	ssyncadd.s32 $0xFFFFC000  }
0x87: {  	[tilespmem:s13], [sflag:$0x2] =	stream.indirect.gather @!p1 [hbm4b:s3+s21], $0x80, s9, s21, $0xb8;
	[tilespmem:$0x15900] =	vst v63  }
0x88: {  	s0 =	simm.s32 $0x5  }
0x89: {  	_ =	swait.ge [sflag:s0], $0x4000  }
0x8a: {  	[sflag:s0] =	ssyncset.done $0x0  }
0x8b: {  	s1 =	rddreg [dreg:$0x2]  }
0x8c: {  	s23 =	simm.s32 $0x8;
	[sflag:s0] =	ssyncadd.s32 $0xFFFFC000;
	s5 =	sadd.s32 s1, s15  }
0x8d: {  	[hbm4b:s5+s2] =	stream.linear.scatter [tilespmem:s28], [sflag:$0xA], $0x4000, $0x38;
	[tilespmem:$0x15900] =	vst v63  }
0x8e: {  	_ =	swait.ge [sflag:s23], $0x4000  }
0x8f: {  	[sflag:s23] =	ssyncset.done $0x0  }
0x90: {  	s24 =	simm.s32 $0x9;
	[sflag:s23] =	ssyncadd.s32 $0xFFFFC000  }
0x91: {  	_ =	swait.ge [sflag:s24], $0x4000  }
0x92: {  	[sflag:s24] =	ssyncset.done $0x0  }
0x93: {  	s26 =	simm.s32 $0xA;
	[sflag:s24] =	ssyncadd.s32 $0xFFFFC000  }
0x94: {  	_ =	swait.ge [sflag:s26], $0x4000  }
0x95: {  	s6 =	rddreg [dreg:$0x10]  }
0x96: {  	s31 =	rddreg [dreg:$0x8];
	s6 =	sadd.s32 $0x1, s6  }
0x97: {  	p0 =	sne.s32 s6, s31  }
.Ltmp1:
0x98: {  	_ = 	snop;
	(pc) =	sbr.rel @p0 .LBB2_1-.Ltmp1, $4  }
0x99: {  	s16 =	simm.s32 $0x1900;
	s14 =	simm.s32 $0x9900;
	s7 =	simm.s32 $0x80  }
0x9a: {  	s18 =	simm.s32 $0x1;
	s29 =	simm.s32 $0x3;
	s30 =	simm.s32 $0x6  }
0x9b: {  	s0 =	simm.s32 $0x7;
	s1 =	simm.s32 $0x4;
	[sflag:s26] =	ssyncset.done $0x0  }
0x9c: {  	s23 =	simm.s32 $0x5900;
	[sflag:s26] =	ssyncadd.s32 $0xFFFFC000;
	s26 =	simm.s32 $0x2  }
0x9d: {  	_ =	sfence.sel $0x180000  }
0x9e: {  	[bflag:$0x0] =	sbarrier.arrive $0xFFFF  }
0x9f: {  	_ =	strace $0x90000047  }
0xa0: {  	s0 =	stileid.u32;
	[bflag:$0x2] =	sbarrier.arrive $0xFFFF  }
0xa1: {  	p0 =	sne.s32 s0, $0x0;
	s0 =	rddreg [dreg:$0x3]  }
0xa2: {  	s0 =	sadd.s32 @!p0 $0x100000, s0  }
0xa3: {  	[sflag:s0] =	ssyncadd.tile.s32 @!p0 $0x1;
	_ =	shalt  }
.Lfunc_end2:
_tile_overlayer_lowered:
.L_overlay_start_2:
0xa4: {  	(tag) =	ssettag $0x2  }
0xa5: {  	s0 =	rddreg [dreg:$0x0];
	s2 =	stileid.u32  }
0xa6: {  	s1 =	rddreg [dreg:$0x1];
	p0 =	sne.s32 s2, $0x0  }
0xa7: {  	s3 =	rddreg [dreg:$0x2];
	[bflag:$0x3] =	sbarrier.arrive $0xFFFF;
	s2 =	simm.s32 @!p0 $0x1C0B  }
0xa8: {  	[timem:s3], [sflag:s2] =	dma.local @!p0 [hbm:s0], s1  }
0xa9: {  	s0 =	simm.s32 @!p0 $0xB  }
0xaa: {  	_ =	swait.ge @!p0 [sflag:s0], s1  }
0xab: {  	s1 =	ssub.s32 @!p0 $0x0, s1;
	[sflag:s0] =	ssyncset.done @!p0 $0x0  }
0xac: {  	[sflag:s0] =	ssyncadd.s32 @!p0 s1  }
0xad: {  	[bflag:$0x3] =	sbarrier.arrive $0xFFFF  }
0xae: {  	_ =	shalt  }

</sc_bundles>
